<compile_context>
chip_gen: v7x
topology: tpu7x:2x2x1
jax: 0.10.2.dev20260603
libtpu: 0.0.44.dev20260713+nightly
codegen_flags: <defaults>
</compile_context>

<pallas_src>
import functools

import jax
import jax.numpy as jnp
from jax import lax
from jax.experimental import pallas as pl
from jax.experimental.pallas import tpu as pltpu
from jax.experimental.pallas import tpu_sc as plsc

_VOCAB = 1000
_VP = 1024
_D = 512
_B = 128
_S = 2048
_K = 204
_KPAD = 208
_NC = 2
_NW = 16 * _NC
_ROWS_PER = _B // _NW
_L = 16


def _vocab_body(sc_ref, rank_ref):
    sc = sc_ref[...]
    bits = lax.bitcast_convert_type(sc, jnp.int32)
    bits_r = jnp.transpose(bits, (1, 0))
    gt = bits > bits_r
    real_row = lax.broadcasted_iota(jnp.int32, (_VP, _VP), 1) < _VOCAB
    nsmaller = jnp.sum(jnp.where(gt & real_row, 1, 0).astype(jnp.int32),
                       axis=1, keepdims=True)
    rank_ref[...] = (_VOCAB - 1) - nsmaller


_vocab_kernel = pl.pallas_call(
    _vocab_body,
    out_shape=jax.ShapeDtypeStruct((_VP, 1), jnp.int32),
)


def _sc_body(x_hbm, vrank_hbm, vscore_hbm,
             scores_hbm, topidx_hbm, cnt_hbm,
             *scratch):
    R = _ROWS_PER
    vrank, vscore = scratch[0], scratch[1]
    x_rows = scratch[2:2 + R]
    rank_rows = scratch[2 + R:2 + 2 * R]
    score_rows = scratch[2 + 2 * R:2 + 3 * R]
    hists = scratch[2 + 3 * R:2 + 4 * R]
    cnt_toks = scratch[2 + 4 * R:2 + 5 * R]
    out_idxs = scratch[2 + 5 * R:2 + 6 * R]
    sel_toks = scratch[2 + 6 * R:2 + 7 * R]
    sem = scratch[2 + 7 * R]

    cid = lax.axis_index("c")
    sid = lax.axis_index("s")
    wid = sid * _NC + cid
    b0 = wid * R
    in_dmas = [pltpu.async_copy(x_hbm.at[b0 + i], x_rows[i], sem)
               for i in range(R)]
    pltpu.sync_copy(vrank_hbm, vrank)
    pltpu.sync_copy(vscore_hbm, vscore)
    for d in in_dmas:
        d.wait()

    @plsc.parallel_loop(0, _VP // _L, 1, unroll=4)
    def zero_body(j):
        for i in range(R):
            hists[i][pl.ds(j * _L, _L)] = jnp.zeros((_L,), jnp.int32)
            cnt_toks[i][pl.ds(j * _L, _L)] = jnp.zeros((_L,), jnp.float32)

    @plsc.parallel_loop(0, _S // _L, 1, unroll=2)
    def p1(c):
        off = c * _L
        toks = [x_rows[i][pl.ds(off, _L)] for i in range(R)]
        rs = [plsc.load_gather(vrank, [toks[i]]) for i in range(R)]
        scs = [plsc.load_gather(vscore, [toks[i]]) for i in range(R)]
        scans = [plsc.scan_count(rs[i]) for i in range(R)]
        for i in range(R):
            rank_rows[i][pl.ds(off, _L)] = rs[i]
        for i in range(R):
            score_rows[i][pl.ds(off, _L)] = scs[i]
        for i in range(R):
            cnt, last = scans[i]
            plsc.addupdate_scatter(hists[i], [rs[i]], cnt, mask=last)
    score_dmas = [pltpu.async_copy(score_rows[i], scores_hbm.at[b0 + i], sem)
                  for i in range(R)]

    @plsc.parallel_loop(0, _VP // _L, 1, unroll=2,
                        carry=(jnp.int32(0),) * R)
    def csb(j, carries):
        hs = [hists[i][pl.ds(j * _L, _L)] for i in range(R)]
        incs = [plsc.cumsum(hs[i]) for i in range(R)]
        sums = [jnp.sum(hs[i], axis=0) for i in range(R)]
        for i in range(R):
            hists[i][pl.ds(j * _L, _L)] = incs[i] - hs[i] + carries[i]
        return tuple(carries[i] + sums[i] for i in range(R))

    for i in range(R):
        out_idxs[i][pl.ds(_KPAD - _L, _L)] = jnp.zeros((_L,), jnp.int32)
        sel_toks[i][pl.ds(_KPAD - _L, _L)] = jnp.zeros((_L,), jnp.int32)

    def p2(c, _):
        off = c * _L
        svec = lax.iota(jnp.int32, _L) + off
        rs = [rank_rows[i][pl.ds(off, _L)] for i in range(R)]
        toks = [x_rows[i][pl.ds(off, _L)] for i in range(R)]
        bases = [plsc.load_gather(hists[i], [rs[i]]) for i in range(R)]
        scans = [plsc.scan_count(rs[i]) for i in range(R)]
        for i in range(R):
            cnt, lastr = scans[i]
            pos = bases[i] + cnt - 1
            plsc.store_scatter(hists[i], [rs[i]], pos + 1, mask=lastr)
            sel = pos < _K
            plsc.store_scatter(out_idxs[i], [pos], svec, mask=sel)
            plsc.store_scatter(sel_toks[i], [pos], toks[i], mask=sel)
        return 0
    lax.fori_loop(0, _S // _L, p2, 0)

    @plsc.parallel_loop(0, _KPAD // _L, 1, unroll=2)
    def pcnt(c):
        off = c * _L
        lane = lax.iota(jnp.int32, _L)
        valid = (lane + off) < _K
        toks = [sel_toks[i][pl.ds(off, _L)] for i in range(R)]
        tokms = [jnp.where(valid, toks[i], _VP + lane) for i in range(R)]
        scans = [plsc.scan_count(tokms[i]) for i in range(R)]
        for i in range(R):
            cnts, lasts = scans[i]
            wm = jnp.logical_and(lasts, valid)
            plsc.addupdate_scatter(cnt_toks[i], [toks[i]],
                                   cnts.astype(jnp.float32), mask=wm)

    out_dmas = [pltpu.async_copy(out_idxs[i], topidx_hbm.at[b0 + i], sem)
                for i in range(R)]
    out_dmas += [pltpu.async_copy(cnt_toks[i], cnt_hbm.at[b0 + i], sem)
                 for i in range(R)]
    for d in score_dmas + out_dmas:
        d.wait()


def _make_sc_select():
    mesh = plsc.VectorSubcoreMesh(core_axis_name="c", subcore_axis_name="s", num_cores=_NC)
    R = _ROWS_PER
    return pl.kernel(
        _sc_body,
        out_type=(
            jax.ShapeDtypeStruct((_B, _S), jnp.float32),
            jax.ShapeDtypeStruct((_B, _KPAD), jnp.int32),
            jax.ShapeDtypeStruct((_B, _VP), jnp.float32),
        ),
        mesh=mesh,
        compiler_params=pltpu.CompilerParams(needs_layout_passes=False),
        scratch_types=(
            [pltpu.VMEM((_VP,), jnp.int32),
             pltpu.VMEM((_VP,), jnp.float32)]
            + [pltpu.VMEM((_S,), jnp.int32) for _ in range(R)]
            + [pltpu.VMEM((_S,), jnp.int32) for _ in range(R)]
            + [pltpu.VMEM((_S,), jnp.float32) for _ in range(R)]
            + [pltpu.VMEM((_VP,), jnp.int32) for _ in range(R)]
            + [pltpu.VMEM((_VP,), jnp.float32) for _ in range(R)]
            + [pltpu.VMEM((_KPAD,), jnp.int32) for _ in range(R)]
            + [pltpu.VMEM((_KPAD,), jnp.int32) for _ in range(R)]
            + [pltpu.SemaphoreType.DMA]
        ),
    )


def _head_body(cnt_ref, tab_ref, a1_ref, ba1_ref, a2_ref, ba2_ref,
               c1_ref, bc1_ref, c2_ref, bc2_ref, pred_ref):
    a1 = jax.nn.relu(jnp.dot(tab_ref[...], a1_ref[...],
                             precision=lax.Precision.HIGHEST,
                             preferred_element_type=jnp.float32) + ba1_ref[...])
    g = jnp.dot(a1, a2_ref[...], precision=lax.Precision.HIGHEST,
                preferred_element_type=jnp.float32) + ba2_ref[...]
    pooled = jnp.dot(cnt_ref[...][:, :_VOCAB], g,
                     precision=lax.Precision.HIGHEST,
                     preferred_element_type=jnp.float32) * (1.0 / _K)
    h = jax.nn.relu(jnp.dot(pooled, c1_ref[...], precision=lax.Precision.HIGHEST,
                            preferred_element_type=jnp.float32) + bc1_ref[...])
    out = jnp.sum(h * c2_ref[...], axis=1, keepdims=True) + bc2_ref[...]
    pred_ref[...] = jax.nn.sigmoid(out)


_head_kernel = pl.pallas_call(
    _head_body,
    out_shape=jax.ShapeDtypeStruct((_B, 1), jnp.float32),
)


def kernel(x, table, W1, b1, W2, b2, W3, b3, A1, bA1, A2, bA2, C1, bC1, C2,
           bC2):
    x = x.astype(jnp.int32)
    h = jax.nn.relu(table @ W1 + b1)
    h = jax.nn.relu(h @ W2 + b2)
    score_col = jnp.pad(jax.nn.sigmoid(h @ W3 + b3),
                        ((0, _VP - _VOCAB), (0, 0)),
                        constant_values=1.0)
    rank_col = _vocab_kernel(score_col)
    scores, top_idx_pad, cnt = _make_sc_select()(
        x, rank_col.reshape(_VP), score_col.reshape(_VP))
    top_idx = top_idx_pad[:, :_K]
    pred = _head_kernel(cnt, table, A1, bA1.reshape(1, -1), A2,
                        bA2.reshape(1, -1), C1, bC1.reshape(1, -1),
                        C2.reshape(1, -1), bC2.reshape(1, 1))
    return pred.reshape(_B), top_idx, scores

# --- scband reference (transcript-rebuilt; emitter-appended) ---
"""Pipeline reference for scband-improved-guided-student-72791105732694 (READ-ONLY COPY).

The authoritative reference and input builder live on the scoring server;
editing this copy changes nothing except your own understanding.
"""

import jax, jax.numpy as jnp
import numpy as np

VOCAB = 1000
D = 512
B = 128
S = 2048
SPARSITY = 0.1
K = max(1, int(S * SPARSITY))  # 204


def _lin_init(k, fan_in, fan_out):
    return jax.random.normal(k, (fan_in, fan_out), dtype=jnp.float32) * (1.0 / np.sqrt(fan_in))


def setup_inputs(seed: int = 0) -> dict:
    key = jax.random.key(seed)
    ks = jax.random.split(key, 12)
    x = jax.random.randint(ks[0], (B, S), 0, VOCAB, dtype=jnp.int64)
    table = jax.random.normal(ks[1], (VOCAB, D), dtype=jnp.float32) * 0.02
    table = table.at[5].set(0.0)  # padding_idx=5
    W1 = _lin_init(ks[2], D, D // 2); b1 = jnp.zeros((D // 2,), jnp.float32)
    W2 = _lin_init(ks[3], D // 2, D // 4); b2 = jnp.zeros((D // 4,), jnp.float32)
    W3 = _lin_init(ks[4], D // 4, 1); b3 = jnp.zeros((1,), jnp.float32)
    A1 = _lin_init(ks[5], D, D // 2); bA1 = jnp.zeros((D // 2,), jnp.float32)
    A2 = _lin_init(ks[6], D // 2, D); bA2 = jnp.zeros((D,), jnp.float32)
    C1 = _lin_init(ks[7], D, D // 2); bC1 = jnp.zeros((D // 2,), jnp.float32)
    C2 = _lin_init(ks[8], D // 2, 1); bC2 = jnp.zeros((1,), jnp.float32)
    return {
        'x': x, 'table': table,
        'W1': W1, 'b1': b1, 'W2': W2, 'b2': b2, 'W3': W3, 'b3': b3,
        'A1': A1, 'bA1': bA1, 'A2': A2, 'bA2': bA2,
        'C1': C1, 'bC1': bC1, 'C2': C2, 'bC2': bC2,
    }


def reference(x, table, W1, b1, W2, b2, W3, b3, A1, bA1, A2, bA2, C1, bC1, C2, bC2):
    # embedding lookup (gather)
    emb = jnp.take(table, x, axis=0)  # [B, S, D]
    # importance network (teacher_knowledge is None -> learned path only)
    h = jax.nn.relu(emb.reshape(-1, D) @ W1 + b1)
    h = jax.nn.relu(h @ W2 + b2)
    learned = (h @ W3 + b3).reshape(B, S)
    scores = jax.nn.sigmoid(learned)  # final_scores
    # top-k position selection per batch row
    top_vals, top_idx = jax.lax.top_k(scores, K)  # [B, K]
    # gather selected embeddings
    selected = jnp.take_along_axis(emb, top_idx[:, :, None], axis=1)  # [B, K, D]
    # attention approximator (dropout is identity in eval)
    a = jax.nn.relu(selected.reshape(-1, D) @ A1 + bA1)
    a = (a @ A2 + bA2).reshape(B, K, D)
    pooled = a.mean(axis=1)  # [B, D]
    # classifier
    c = jax.nn.relu(pooled @ C1 + bC1)
    pred = jax.nn.sigmoid(c @ C2 + bC2).squeeze(-1)  # [B]
    return (pred, top_idx, scores)

if __name__ == "__main__":
    import jax
    _d = setup_inputs()
    print(jax.jit(kernel)(*tuple(_d.values())))

</pallas_src>

<mosaic_0001>
#map = affine_map<(d0, d1) -> (0, 0)>
#map1 = affine_map<(d0, d1) -> (0)>
module attributes {stable_mosaic.version = 14 : i64} {
  func.func @_sc_body(%arg0: i32, %arg1: i32, %arg2: memref<128x2048xi32, #tpu.memory_space<hbm>>, %arg3: memref<1024xi32, #tpu.memory_space<hbm>>, %arg4: memref<1024xf32, #tpu.memory_space<hbm>>, %arg5: memref<128x2048xf32, #tpu.memory_space<hbm>>, %arg6: memref<128x208xi32, #tpu.memory_space<hbm>>, %arg7: memref<128x1024xf32, #tpu.memory_space<hbm>>, %arg8: memref<1024xi32, #tpu.memory_space<vmem>>, %arg9: memref<1024xf32, #tpu.memory_space<vmem>>, %arg10: memref<2048xi32, #tpu.memory_space<vmem>>, %arg11: memref<2048xi32, #tpu.memory_space<vmem>>, %arg12: memref<2048xi32, #tpu.memory_space<vmem>>, %arg13: memref<2048xi32, #tpu.memory_space<vmem>>, %arg14: memref<2048xi32, #tpu.memory_space<vmem>>, %arg15: memref<2048xi32, #tpu.memory_space<vmem>>, %arg16: memref<2048xi32, #tpu.memory_space<vmem>>, %arg17: memref<2048xi32, #tpu.memory_space<vmem>>, %arg18: memref<2048xf32, #tpu.memory_space<vmem>>, %arg19: memref<2048xf32, #tpu.memory_space<vmem>>, %arg20: memref<2048xf32, #tpu.memory_space<vmem>>, %arg21: memref<2048xf32, #tpu.memory_space<vmem>>, %arg22: memref<1024xi32, #tpu.memory_space<vmem>>, %arg23: memref<1024xi32, #tpu.memory_space<vmem>>, %arg24: memref<1024xi32, #tpu.memory_space<vmem>>, %arg25: memref<1024xi32, #tpu.memory_space<vmem>>, %arg26: memref<1024xf32, #tpu.memory_space<vmem>>, %arg27: memref<1024xf32, #tpu.memory_space<vmem>>, %arg28: memref<1024xf32, #tpu.memory_space<vmem>>, %arg29: memref<1024xf32, #tpu.memory_space<vmem>>, %arg30: memref<208xi32, #tpu.memory_space<vmem>>, %arg31: memref<208xi32, #tpu.memory_space<vmem>>, %arg32: memref<208xi32, #tpu.memory_space<vmem>>, %arg33: memref<208xi32, #tpu.memory_space<vmem>>, %arg34: memref<208xi32, #tpu.memory_space<vmem>>, %arg35: memref<208xi32, #tpu.memory_space<vmem>>, %arg36: memref<208xi32, #tpu.memory_space<vmem>>, %arg37: memref<208xi32, #tpu.memory_space<vmem>>, %arg38: memref<!tpu.dma_semaphore, #tpu.memory_space<semaphore_mem>>) attributes {dimension_semantics = [#tpu.dimension_semantics<core_parallel>, #tpu.dimension_semantics<subcore_parallel>], iteration_bounds = array<i64: 2, 16>, scalar_prefetch = 0 : i64, scratch_operands = 31 : i64, tpu.core_type = #tpu.core_type<sc_vector_subcore>, window_params = [{transform_indices = #map}, {transform_indices = #map1}, {transform_indices = #map1}, {transform_indices = #map}, {transform_indices = #map}, {transform_indices = #map}]} {
    %mul3A = arith.constant 2 : i32
    %mul3A_0 = arith.muli %arg1, %mul3A : i32
    %add3A = arith.addi %mul3A_0, %arg0 : i32
    %mul3A_1 = arith.constant 4 : i32
    %mul3A_2 = arith.muli %add3A, %mul3A_1 : i32
    %add3A_3 = arith.constant 0 : i32
    %add3A_4 = arith.addi %mul3A_2, %add3A_3 : i32
    %dma_start3A = arith.constant 0 : i32
    %dma_start3A_5 = tpu.memref_slice %arg2[%add3A_4, %dma_start3A] : memref<128x2048xi32, #tpu.memory_space<hbm>> -> memref<1x2048xi32, #tpu.memory_space<hbm>>
    %dma_start3A_6 = tpu.memref_squeeze %dma_start3A_5 : memref<1x2048xi32, #tpu.memory_space<hbm>> -> memref<2048xi32, #tpu.memory_space<hbm>>
    %dma_start3A_7 = arith.constant 0 : i32
    %dma_start3A_8 = tpu.memref_slice %arg2[%add3A_4, %dma_start3A_7] : memref<128x2048xi32, #tpu.memory_space<hbm>> -> memref<1x2048xi32, #tpu.memory_space<hbm>>
    %dma_start3A_9 = tpu.memref_squeeze %dma_start3A_8 : memref<1x2048xi32, #tpu.memory_space<hbm>> -> memref<2048xi32, #tpu.memory_space<hbm>>
    tpu.enqueue_dma source(%dma_start3A_9 : memref<2048xi32, #tpu.memory_space<hbm>>) target(%arg10 : memref<2048xi32, #tpu.memory_space<vmem>>) target_semaphore(%arg38 : memref<!tpu.dma_semaphore, #tpu.memory_space<semaphore_mem>>)
    %add3A_10 = arith.constant 1 : i32
    %add3A_11 = arith.addi %mul3A_2, %add3A_10 : i32
    %dma_start3A_12 = arith.constant 0 : i32
    %dma_start3A_13 = tpu.memref_slice %arg2[%add3A_11, %dma_start3A_12] : memref<128x2048xi32, #tpu.memory_space<hbm>> -> memref<1x2048xi32, #tpu.memory_space<hbm>>
    %dma_start3A_14 = tpu.memref_squeeze %dma_start3A_13 : memref<1x2048xi32, #tpu.memory_space<hbm>> -> memref<2048xi32, #tpu.memory_space<hbm>>
    %dma_start3A_15 = arith.constant 0 : i32
    %dma_start3A_16 = tpu.memref_slice %arg2[%add3A_11, %dma_start3A_15] : memref<128x2048xi32, #tpu.memory_space<hbm>> -> memref<1x2048xi32, #tpu.memory_space<hbm>>
    %dma_start3A_17 = tpu.memref_squeeze %dma_start3A_16 : memref<1x2048xi32, #tpu.memory_space<hbm>> -> memref<2048xi32, #tpu.memory_space<hbm>>
    tpu.enqueue_dma source(%dma_start3A_17 : memref<2048xi32, #tpu.memory_space<hbm>>) target(%arg11 : memref<2048xi32, #tpu.memory_space<vmem>>) target_semaphore(%arg38 : memref<!tpu.dma_semaphore, #tpu.memory_space<semaphore_mem>>)
    %add3A_18 = arith.constant 2 : i32
    %add3A_19 = arith.addi %mul3A_2, %add3A_18 : i32
    %dma_start3A_20 = arith.constant 0 : i32
    %dma_start3A_21 = tpu.memref_slice %arg2[%add3A_19, %dma_start3A_20] : memref<128x2048xi32, #tpu.memory_space<hbm>> -> memref<1x2048xi32, #tpu.memory_space<hbm>>
    %dma_start3A_22 = tpu.memref_squeeze %dma_start3A_21 : memref<1x2048xi32, #tpu.memory_space<hbm>> -> memref<2048xi32, #tpu.memory_space<hbm>>
    %dma_start3A_23 = arith.constant 0 : i32
    %dma_start3A_24 = tpu.memref_slice %arg2[%add3A_19, %dma_start3A_23] : memref<128x2048xi32, #tpu.memory_space<hbm>> -> memref<1x2048xi32, #tpu.memory_space<hbm>>
    %dma_start3A_25 = tpu.memref_squeeze %dma_start3A_24 : memref<1x2048xi32, #tpu.memory_space<hbm>> -> memref<2048xi32, #tpu.memory_space<hbm>>
    tpu.enqueue_dma source(%dma_start3A_25 : memref<2048xi32, #tpu.memory_space<hbm>>) target(%arg12 : memref<2048xi32, #tpu.memory_space<vmem>>) target_semaphore(%arg38 : memref<!tpu.dma_semaphore, #tpu.memory_space<semaphore_mem>>)
    %add3A_26 = arith.constant 3 : i32
    %add3A_27 = arith.addi %mul3A_2, %add3A_26 : i32
    %dma_start3A_28 = arith.constant 0 : i32
    %dma_start3A_29 = tpu.memref_slice %arg2[%add3A_27, %dma_start3A_28] : memref<128x2048xi32, #tpu.memory_space<hbm>> -> memref<1x2048xi32, #tpu.memory_space<hbm>>
    %dma_start3A_30 = tpu.memref_squeeze %dma_start3A_29 : memref<1x2048xi32, #tpu.memory_space<hbm>> -> memref<2048xi32, #tpu.memory_space<hbm>>
    %dma_start3A_31 = arith.constant 0 : i32
    %dma_start3A_32 = tpu.memref_slice %arg2[%add3A_27, %dma_start3A_31] : memref<128x2048xi32, #tpu.memory_space<hbm>> -> memref<1x2048xi32, #tpu.memory_space<hbm>>
    %dma_start3A_33 = tpu.memref_squeeze %dma_start3A_32 : memref<1x2048xi32, #tpu.memory_space<hbm>> -> memref<2048xi32, #tpu.memory_space<hbm>>
    tpu.enqueue_dma source(%dma_start3A_33 : memref<2048xi32, #tpu.memory_space<hbm>>) target(%arg13 : memref<2048xi32, #tpu.memory_space<vmem>>) target_semaphore(%arg38 : memref<!tpu.dma_semaphore, #tpu.memory_space<semaphore_mem>>)
    "tpu.region"() ({
      %run_scoped3A = tpu.sem_alloc : memref<!tpu.dma_semaphore, #tpu.memory_space<semaphore_mem>>
      tpu.enqueue_dma source(%arg3 : memref<1024xi32, #tpu.memory_space<hbm>>) target(%arg8 : memref<1024xi32, #tpu.memory_space<vmem>>) target_semaphore(%run_scoped3A : memref<!tpu.dma_semaphore, #tpu.memory_space<semaphore_mem>>)
      tpu.wait_dma2 semaphore(%run_scoped3A : memref<!tpu.dma_semaphore, #tpu.memory_space<semaphore_mem>>) src(%arg3 : memref<1024xi32, #tpu.memory_space<hbm>>) dst(%arg8 : memref<1024xi32, #tpu.memory_space<vmem>>)
      tpu.yield
    }) : () -> ()
    "tpu.region"() ({
      %run_scoped3A = tpu.sem_alloc : memref<!tpu.dma_semaphore, #tpu.memory_space<semaphore_mem>>
      tpu.enqueue_dma source(%arg4 : memref<1024xf32, #tpu.memory_space<hbm>>) target(%arg9 : memref<1024xf32, #tpu.memory_space<vmem>>) target_semaphore(%run_scoped3A : memref<!tpu.dma_semaphore, #tpu.memory_space<semaphore_mem>>)
      tpu.wait_dma2 semaphore(%run_scoped3A : memref<!tpu.dma_semaphore, #tpu.memory_space<semaphore_mem>>) src(%arg4 : memref<1024xf32, #tpu.memory_space<hbm>>) dst(%arg9 : memref<1024xf32, #tpu.memory_space<vmem>>)
      tpu.yield
    }) : () -> ()
    %dma_wait3A = arith.constant 0 : i32
    %dma_wait3A_34 = tpu.memref_slice %arg2[%add3A_4, %dma_wait3A] : memref<128x2048xi32, #tpu.memory_space<hbm>> -> memref<1x2048xi32, #tpu.memory_space<hbm>>
    %dma_wait3A_35 = tpu.memref_squeeze %dma_wait3A_34 : memref<1x2048xi32, #tpu.memory_space<hbm>> -> memref<2048xi32, #tpu.memory_space<hbm>>
    %dma_wait3A_36 = arith.constant 0 : i32
    %dma_wait3A_37 = tpu.memref_slice %arg2[%add3A_4, %dma_wait3A_36] : memref<128x2048xi32, #tpu.memory_space<hbm>> -> memref<1x2048xi32, #tpu.memory_space<hbm>>
    %dma_wait3A_38 = tpu.memref_squeeze %dma_wait3A_37 : memref<1x2048xi32, #tpu.memory_space<hbm>> -> memref<2048xi32, #tpu.memory_space<hbm>>
    tpu.wait_dma2 semaphore(%arg38 : memref<!tpu.dma_semaphore, #tpu.memory_space<semaphore_mem>>) src(%dma_wait3A_38 : memref<2048xi32, #tpu.memory_space<hbm>>) dst(%arg10 : memref<2048xi32, #tpu.memory_space<vmem>>)
    %dma_wait3A_39 = arith.constant 0 : i32
    %dma_wait3A_40 = tpu.memref_slice %arg2[%add3A_11, %dma_wait3A_39] : memref<128x2048xi32, #tpu.memory_space<hbm>> -> memref<1x2048xi32, #tpu.memory_space<hbm>>
    %dma_wait3A_41 = tpu.memref_squeeze %dma_wait3A_40 : memref<1x2048xi32, #tpu.memory_space<hbm>> -> memref<2048xi32, #tpu.memory_space<hbm>>
    %dma_wait3A_42 = arith.constant 0 : i32
    %dma_wait3A_43 = tpu.memref_slice %arg2[%add3A_11, %dma_wait3A_42] : memref<128x2048xi32, #tpu.memory_space<hbm>> -> memref<1x2048xi32, #tpu.memory_space<hbm>>
    %dma_wait3A_44 = tpu.memref_squeeze %dma_wait3A_43 : memref<1x2048xi32, #tpu.memory_space<hbm>> -> memref<2048xi32, #tpu.memory_space<hbm>>
    tpu.wait_dma2 semaphore(%arg38 : memref<!tpu.dma_semaphore, #tpu.memory_space<semaphore_mem>>) src(%dma_wait3A_44 : memref<2048xi32, #tpu.memory_space<hbm>>) dst(%arg11 : memref<2048xi32, #tpu.memory_space<vmem>>)
    %dma_wait3A_45 = arith.constant 0 : i32
    %dma_wait3A_46 = tpu.memref_slice %arg2[%add3A_19, %dma_wait3A_45] : memref<128x2048xi32, #tpu.memory_space<hbm>> -> memref<1x2048xi32, #tpu.memory_space<hbm>>
    %dma_wait3A_47 = tpu.memref_squeeze %dma_wait3A_46 : memref<1x2048xi32, #tpu.memory_space<hbm>> -> memref<2048xi32, #tpu.memory_space<hbm>>
    %dma_wait3A_48 = arith.constant 0 : i32
    %dma_wait3A_49 = tpu.memref_slice %arg2[%add3A_19, %dma_wait3A_48] : memref<128x2048xi32, #tpu.memory_space<hbm>> -> memref<1x2048xi32, #tpu.memory_space<hbm>>
    %dma_wait3A_50 = tpu.memref_squeeze %dma_wait3A_49 : memref<1x2048xi32, #tpu.memory_space<hbm>> -> memref<2048xi32, #tpu.memory_space<hbm>>
    tpu.wait_dma2 semaphore(%arg38 : memref<!tpu.dma_semaphore, #tpu.memory_space<semaphore_mem>>) src(%dma_wait3A_50 : memref<2048xi32, #tpu.memory_space<hbm>>) dst(%arg12 : memref<2048xi32, #tpu.memory_space<vmem>>)
    %dma_wait3A_51 = arith.constant 0 : i32
    %dma_wait3A_52 = tpu.memref_slice %arg2[%add3A_27, %dma_wait3A_51] : memref<128x2048xi32, #tpu.memory_space<hbm>> -> memref<1x2048xi32, #tpu.memory_space<hbm>>
    %dma_wait3A_53 = tpu.memref_squeeze %dma_wait3A_52 : memref<1x2048xi32, #tpu.memory_space<hbm>> -> memref<2048xi32, #tpu.memory_space<hbm>>
    %dma_wait3A_54 = arith.constant 0 : i32
    %dma_wait3A_55 = tpu.memref_slice %arg2[%add3A_27, %dma_wait3A_54] : memref<128x2048xi32, #tpu.memory_space<hbm>> -> memref<1x2048xi32, #tpu.memory_space<hbm>>
    %dma_wait3A_56 = tpu.memref_squeeze %dma_wait3A_55 : memref<1x2048xi32, #tpu.memory_space<hbm>> -> memref<2048xi32, #tpu.memory_space<hbm>>
    tpu.wait_dma2 semaphore(%arg38 : memref<!tpu.dma_semaphore, #tpu.memory_space<semaphore_mem>>) src(%dma_wait3A_56 : memref<2048xi32, #tpu.memory_space<hbm>>) dst(%arg13 : memref<2048xi32, #tpu.memory_space<vmem>>)
    %parallel_loop3A = arith.constant 0 : i32
    %parallel_loop3A_57 = arith.constant 64 : i32
    %parallel_loop3A_58 = arith.constant 1 : i32
    scf.for %parallel_loop3A_277 = %parallel_loop3A to %parallel_loop3A_57 step %parallel_loop3A_58  : i32 {
      %parallel_loop3A_278 = arith.constant 0 : i32
      %parallel_loop3A_279 = vector.broadcast %parallel_loop3A_278 : i32 to vector<16xi32>
      %parallel_loop3A_280 = arith.constant 16 : i32
      %parallel_loop3A_281 = arith.muli %parallel_loop3A_277, %parallel_loop3A_280 : i32
      %parallel_loop3A_282 = arith.index_cast %parallel_loop3A_281 : i32 to index
      %parallel_loop3A_283 = tpu.vector_load %arg22[%parallel_loop3A_282] {strides = array<i32>} : memref<1024xi32, #tpu.memory_space<vmem>>, vector<16xi32>,
      tpu.vector_store %arg22[%parallel_loop3A_282], %parallel_loop3A_279 {strides = array<i32>} : memref<1024xi32, #tpu.memory_space<vmem>>, vector<16xi32>,
      %parallel_loop3A_284 = arith.constant 0.000000e+00 : f32
      %parallel_loop3A_285 = vector.broadcast %parallel_loop3A_284 : f32 to vector<16xf32>
      %parallel_loop3A_286 = arith.constant 16 : i32
      %parallel_loop3A_287 = arith.muli %parallel_loop3A_277, %parallel_loop3A_286 : i32
      %parallel_loop3A_288 = arith.index_cast %parallel_loop3A_287 : i32 to index
      %parallel_loop3A_289 = tpu.vector_load %arg26[%parallel_loop3A_288] {strides = array<i32>} : memref<1024xf32, #tpu.memory_space<vmem>>, vector<16xf32>,
      tpu.vector_store %arg26[%parallel_loop3A_288], %parallel_loop3A_285 {strides = array<i32>} : memref<1024xf32, #tpu.memory_space<vmem>>, vector<16xf32>,
      %parallel_loop3A_290 = arith.constant 0 : i32
      %parallel_loop3A_291 = vector.broadcast %parallel_loop3A_290 : i32 to vector<16xi32>
      %parallel_loop3A_292 = arith.constant 16 : i32
      %parallel_loop3A_293 = arith.muli %parallel_loop3A_277, %parallel_loop3A_292 : i32
      %parallel_loop3A_294 = arith.index_cast %parallel_loop3A_293 : i32 to index
      %parallel_loop3A_295 = tpu.vector_load %arg23[%parallel_loop3A_294] {strides = array<i32>} : memref<1024xi32, #tpu.memory_space<vmem>>, vector<16xi32>,
      tpu.vector_store %arg23[%parallel_loop3A_294], %parallel_loop3A_291 {strides = array<i32>} : memref<1024xi32, #tpu.memory_space<vmem>>, vector<16xi32>,
      %parallel_loop3A_296 = arith.constant 0.000000e+00 : f32
      %parallel_loop3A_297 = vector.broadcast %parallel_loop3A_296 : f32 to vector<16xf32>
      %parallel_loop3A_298 = arith.constant 16 : i32
      %parallel_loop3A_299 = arith.muli %parallel_loop3A_277, %parallel_loop3A_298 : i32
      %parallel_loop3A_300 = arith.index_cast %parallel_loop3A_299 : i32 to index
      %parallel_loop3A_301 = tpu.vector_load %arg27[%parallel_loop3A_300] {strides = array<i32>} : memref<1024xf32, #tpu.memory_space<vmem>>, vector<16xf32>,
      tpu.vector_store %arg27[%parallel_loop3A_300], %parallel_loop3A_297 {strides = array<i32>} : memref<1024xf32, #tpu.memory_space<vmem>>, vector<16xf32>,
      %parallel_loop3A_302 = arith.constant 0 : i32
      %parallel_loop3A_303 = vector.broadcast %parallel_loop3A_302 : i32 to vector<16xi32>
      %parallel_loop3A_304 = arith.constant 16 : i32
      %parallel_loop3A_305 = arith.muli %parallel_loop3A_277, %parallel_loop3A_304 : i32
      %parallel_loop3A_306 = arith.index_cast %parallel_loop3A_305 : i32 to index
      %parallel_loop3A_307 = tpu.vector_load %arg24[%parallel_loop3A_306] {strides = array<i32>} : memref<1024xi32, #tpu.memory_space<vmem>>, vector<16xi32>,
      tpu.vector_store %arg24[%parallel_loop3A_306], %parallel_loop3A_303 {strides = array<i32>} : memref<1024xi32, #tpu.memory_space<vmem>>, vector<16xi32>,
      %parallel_loop3A_308 = arith.constant 0.000000e+00 : f32
      %parallel_loop3A_309 = vector.broadcast %parallel_loop3A_308 : f32 to vector<16xf32>
      %parallel_loop3A_310 = arith.constant 16 : i32
      %parallel_loop3A_311 = arith.muli %parallel_loop3A_277, %parallel_loop3A_310 : i32
      %parallel_loop3A_312 = arith.index_cast %parallel_loop3A_311 : i32 to index
      %parallel_loop3A_313 = tpu.vector_load %arg28[%parallel_loop3A_312] {strides = array<i32>} : memref<1024xf32, #tpu.memory_space<vmem>>, vector<16xf32>,
      tpu.vector_store %arg28[%parallel_loop3A_312], %parallel_loop3A_309 {strides = array<i32>} : memref<1024xf32, #tpu.memory_space<vmem>>, vector<16xf32>,
      %parallel_loop3A_314 = arith.constant 0 : i32
      %parallel_loop3A_315 = vector.broadcast %parallel_loop3A_314 : i32 to vector<16xi32>
      %parallel_loop3A_316 = arith.constant 16 : i32
      %parallel_loop3A_317 = arith.muli %parallel_loop3A_277, %parallel_loop3A_316 : i32
      %parallel_loop3A_318 = arith.index_cast %parallel_loop3A_317 : i32 to index
      %parallel_loop3A_319 = tpu.vector_load %arg25[%parallel_loop3A_318] {strides = array<i32>} : memref<1024xi32, #tpu.memory_space<vmem>>, vector<16xi32>,
      tpu.vector_store %arg25[%parallel_loop3A_318], %parallel_loop3A_315 {strides = array<i32>} : memref<1024xi32, #tpu.memory_space<vmem>>, vector<16xi32>,
      %parallel_loop3A_320 = arith.constant 0.000000e+00 : f32
      %parallel_loop3A_321 = vector.broadcast %parallel_loop3A_320 : f32 to vector<16xf32>
      %parallel_loop3A_322 = arith.constant 16 : i32
      %parallel_loop3A_323 = arith.muli %parallel_loop3A_277, %parallel_loop3A_322 : i32
      %parallel_loop3A_324 = arith.index_cast %parallel_loop3A_323 : i32 to index
      %parallel_loop3A_325 = tpu.vector_load %arg29[%parallel_loop3A_324] {strides = array<i32>} : memref<1024xf32, #tpu.memory_space<vmem>>, vector<16xf32>,
      tpu.vector_store %arg29[%parallel_loop3A_324], %parallel_loop3A_321 {strides = array<i32>} : memref<1024xf32, #tpu.memory_space<vmem>>, vector<16xf32>,
    } {sc.loop_unroll_factor = 4 : i64, sc.parallel_access}
    %parallel_loop3A_59 = arith.constant 0 : i32
    %parallel_loop3A_60 = arith.constant 128 : i32
    %parallel_loop3A_61 = arith.constant 1 : i32
    scf.for %parallel_loop3A_277 = %parallel_loop3A_59 to %parallel_loop3A_60 step %parallel_loop3A_61  : i32 {
      %parallel_loop3A_278 = arith.constant 16 : i32
      %parallel_loop3A_279 = arith.muli %parallel_loop3A_277, %parallel_loop3A_278 : i32
      %parallel_loop3A_280 = arith.index_cast %parallel_loop3A_279 : i32 to index
      %parallel_loop3A_281 = tpu.vector_load %arg10[%parallel_loop3A_280] {strides = array<i32>} : memref<2048xi32, #tpu.memory_space<vmem>>, vector<16xi32>,
      %parallel_loop3A_282 = arith.index_cast %parallel_loop3A_279 : i32 to index
      %parallel_loop3A_283 = tpu.vector_load %arg11[%parallel_loop3A_282] {strides = array<i32>} : memref<2048xi32, #tpu.memory_space<vmem>>, vector<16xi32>,
      %parallel_loop3A_284 = arith.index_cast %parallel_loop3A_279 : i32 to index
      %parallel_loop3A_285 = tpu.vector_load %arg12[%parallel_loop3A_284] {strides = array<i32>} : memref<2048xi32, #tpu.memory_space<vmem>>, vector<16xi32>,
      %parallel_loop3A_286 = arith.index_cast %parallel_loop3A_279 : i32 to index
      %parallel_loop3A_287 = tpu.vector_load %arg13[%parallel_loop3A_286] {strides = array<i32>} : memref<2048xi32, #tpu.memory_space<vmem>>, vector<16xi32>,
      %parallel_loop3A_288 = tpu.vector_load_idx %arg8[%parallel_loop3A_281] : memref<1024xi32, #tpu.memory_space<vmem>>[vector<16xi32>], vector<16xi32>,
      %parallel_loop3A_289 = tpu.vector_load_idx %arg8[%parallel_loop3A_283] : memref<1024xi32, #tpu.memory_space<vmem>>[vector<16xi32>], vector<16xi32>,
      %parallel_loop3A_290 = tpu.vector_load_idx %arg8[%parallel_loop3A_285] : memref<1024xi32, #tpu.memory_space<vmem>>[vector<16xi32>], vector<16xi32>,
      %parallel_loop3A_291 = tpu.vector_load_idx %arg8[%parallel_loop3A_287] : memref<1024xi32, #tpu.memory_space<vmem>>[vector<16xi32>], vector<16xi32>,
      %parallel_loop3A_292 = tpu.vector_load_idx %arg9[%parallel_loop3A_281] : memref<1024xf32, #tpu.memory_space<vmem>>[vector<16xi32>], vector<16xf32>,
      %parallel_loop3A_293 = tpu.vector_load_idx %arg9[%parallel_loop3A_283] : memref<1024xf32, #tpu.memory_space<vmem>>[vector<16xi32>], vector<16xf32>,
      %parallel_loop3A_294 = tpu.vector_load_idx %arg9[%parallel_loop3A_285] : memref<1024xf32, #tpu.memory_space<vmem>>[vector<16xi32>], vector<16xf32>,
      %parallel_loop3A_295 = tpu.vector_load_idx %arg9[%parallel_loop3A_287] : memref<1024xf32, #tpu.memory_space<vmem>>[vector<16xi32>], vector<16xf32>,
      %parallel_loop3A_296 = arith.constant true
      %parallel_loop3A_297 = vector.broadcast %parallel_loop3A_296 : i1 to vector<16xi1>
      %parallel_loop3A_298, %parallel_loop3A_299 = tpu.scan_count mask(%parallel_loop3A_297 : vector<16xi1>) value(%parallel_loop3A_288 : vector<16xi32>) : vector<16xi1>, vector<16xi32>
      %parallel_loop3A_300 = arith.constant true
      %parallel_loop3A_301 = vector.broadcast %parallel_loop3A_300 : i1 to vector<16xi1>
      %parallel_loop3A_302, %parallel_loop3A_303 = tpu.scan_count mask(%parallel_loop3A_301 : vector<16xi1>) value(%parallel_loop3A_289 : vector<16xi32>) : vector<16xi1>, vector<16xi32>
      %parallel_loop3A_304 = arith.constant true
      %parallel_loop3A_305 = vector.broadcast %parallel_loop3A_304 : i1 to vector<16xi1>
      %parallel_loop3A_306, %parallel_loop3A_307 = tpu.scan_count mask(%parallel_loop3A_305 : vector<16xi1>) value(%parallel_loop3A_290 : vector<16xi32>) : vector<16xi1>, vector<16xi32>
      %parallel_loop3A_308 = arith.constant true
      %parallel_loop3A_309 = vector.broadcast %parallel_loop3A_308 : i1 to vector<16xi1>
      %parallel_loop3A_310, %parallel_loop3A_311 = tpu.scan_count mask(%parallel_loop3A_309 : vector<16xi1>) value(%parallel_loop3A_291 : vector<16xi32>) : vector<16xi1>, vector<16xi32>
      %parallel_loop3A_312 = arith.index_cast %parallel_loop3A_279 : i32 to index
      %parallel_loop3A_313 = tpu.vector_load %arg14[%parallel_loop3A_312] {strides = array<i32>} : memref<2048xi32, #tpu.memory_space<vmem>>, vector<16xi32>,
      tpu.vector_store %arg14[%parallel_loop3A_312], %parallel_loop3A_288 {strides = array<i32>} : memref<2048xi32, #tpu.memory_space<vmem>>, vector<16xi32>,
      %parallel_loop3A_314 = arith.index_cast %parallel_loop3A_279 : i32 to index
      %parallel_loop3A_315 = tpu.vector_load %arg15[%parallel_loop3A_314] {strides = array<i32>} : memref<2048xi32, #tpu.memory_space<vmem>>, vector<16xi32>,
      tpu.vector_store %arg15[%parallel_loop3A_314], %parallel_loop3A_289 {strides = array<i32>} : memref<2048xi32, #tpu.memory_space<vmem>>, vector<16xi32>,
      %parallel_loop3A_316 = arith.index_cast %parallel_loop3A_279 : i32 to index
      %parallel_loop3A_317 = tpu.vector_load %arg16[%parallel_loop3A_316] {strides = array<i32>} : memref<2048xi32, #tpu.memory_space<vmem>>, vector<16xi32>,
      tpu.vector_store %arg16[%parallel_loop3A_316], %parallel_loop3A_290 {strides = array<i32>} : memref<2048xi32, #tpu.memory_space<vmem>>, vector<16xi32>,
      %parallel_loop3A_318 = arith.index_cast %parallel_loop3A_279 : i32 to index
      %parallel_loop3A_319 = tpu.vector_load %arg17[%parallel_loop3A_318] {strides = array<i32>} : memref<2048xi32, #tpu.memory_space<vmem>>, vector<16xi32>,
      tpu.vector_store %arg17[%parallel_loop3A_318], %parallel_loop3A_291 {strides = array<i32>} : memref<2048xi32, #tpu.memory_space<vmem>>, vector<16xi32>,
      %parallel_loop3A_320 = arith.index_cast %parallel_loop3A_279 : i32 to index
      %parallel_loop3A_321 = tpu.vector_load %arg18[%parallel_loop3A_320] {strides = array<i32>} : memref<2048xf32, #tpu.memory_space<vmem>>, vector<16xf32>,
      tpu.vector_store %arg18[%parallel_loop3A_320], %parallel_loop3A_292 {strides = array<i32>} : memref<2048xf32, #tpu.memory_space<vmem>>, vector<16xf32>,
      %parallel_loop3A_322 = arith.index_cast %parallel_loop3A_279 : i32 to index
      %parallel_loop3A_323 = tpu.vector_load %arg19[%parallel_loop3A_322] {strides = array<i32>} : memref<2048xf32, #tpu.memory_space<vmem>>, vector<16xf32>,
      tpu.vector_store %arg19[%parallel_loop3A_322], %parallel_loop3A_293 {strides = array<i32>} : memref<2048xf32, #tpu.memory_space<vmem>>, vector<16xf32>,
      %parallel_loop3A_324 = arith.index_cast %parallel_loop3A_279 : i32 to index
      %parallel_loop3A_325 = tpu.vector_load %arg20[%parallel_loop3A_324] {strides = array<i32>} : memref<2048xf32, #tpu.memory_space<vmem>>, vector<16xf32>,
      tpu.vector_store %arg20[%parallel_loop3A_324], %parallel_loop3A_294 {strides = array<i32>} : memref<2048xf32, #tpu.memory_space<vmem>>, vector<16xf32>,
      %parallel_loop3A_326 = arith.index_cast %parallel_loop3A_279 : i32 to index
      %parallel_loop3A_327 = tpu.vector_load %arg21[%parallel_loop3A_326] {strides = array<i32>} : memref<2048xf32, #tpu.memory_space<vmem>>, vector<16xf32>,
      tpu.vector_store %arg21[%parallel_loop3A_326], %parallel_loop3A_295 {strides = array<i32>} : memref<2048xf32, #tpu.memory_space<vmem>>, vector<16xf32>,
      tpu.vector_store_idx %arg22[%parallel_loop3A_288], %parallel_loop3A_299 masked %parallel_loop3A_298 {add = true} : memref<1024xi32, #tpu.memory_space<vmem>>[vector<16xi32>], vector<16xi32>, vector<16xi1>
      tpu.vector_store_idx %arg23[%parallel_loop3A_289], %parallel_loop3A_303 masked %parallel_loop3A_302 {add = true} : memref<1024xi32, #tpu.memory_space<vmem>>[vector<16xi32>], vector<16xi32>, vector<16xi1>
      tpu.vector_store_idx %arg24[%parallel_loop3A_290], %parallel_loop3A_307 masked %parallel_loop3A_306 {add = true} : memref<1024xi32, #tpu.memory_space<vmem>>[vector<16xi32>], vector<16xi32>, vector<16xi1>
      tpu.vector_store_idx %arg25[%parallel_loop3A_291], %parallel_loop3A_311 masked %parallel_loop3A_310 {add = true} : memref<1024xi32, #tpu.memory_space<vmem>>[vector<16xi32>], vector<16xi32>, vector<16xi1>
    } {sc.loop_unroll_factor = 2 : i64, sc.parallel_access}
    %add3A_62 = arith.constant 0 : i32
    %add3A_63 = arith.addi %mul3A_2, %add3A_62 : i32
    %dma_start3A_64 = arith.constant 0 : i32
    %dma_start3A_65 = tpu.memref_slice %arg5[%add3A_63, %dma_start3A_64] : memref<128x2048xf32, #tpu.memory_space<hbm>> -> memref<1x2048xf32, #tpu.memory_space<hbm>>
    %dma_start3A_66 = tpu.memref_squeeze %dma_start3A_65 : memref<1x2048xf32, #tpu.memory_space<hbm>> -> memref<2048xf32, #tpu.memory_space<hbm>>
    %dma_start3A_67 = arith.constant 0 : i32
    %dma_start3A_68 = tpu.memref_slice %arg5[%add3A_63, %dma_start3A_67] : memref<128x2048xf32, #tpu.memory_space<hbm>> -> memref<1x2048xf32, #tpu.memory_space<hbm>>
    %dma_start3A_69 = tpu.memref_squeeze %dma_start3A_68 : memref<1x2048xf32, #tpu.memory_space<hbm>> -> memref<2048xf32, #tpu.memory_space<hbm>>
    tpu.enqueue_dma source(%arg18 : memref<2048xf32, #tpu.memory_space<vmem>>) target(%dma_start3A_69 : memref<2048xf32, #tpu.memory_space<hbm>>) target_semaphore(%arg38 : memref<!tpu.dma_semaphore, #tpu.memory_space<semaphore_mem>>)
    %add3A_70 = arith.constant 1 : i32
    %add3A_71 = arith.addi %mul3A_2, %add3A_70 : i32
    %dma_start3A_72 = arith.constant 0 : i32
    %dma_start3A_73 = tpu.memref_slice %arg5[%add3A_71, %dma_start3A_72] : memref<128x2048xf32, #tpu.memory_space<hbm>> -> memref<1x2048xf32, #tpu.memory_space<hbm>>
    %dma_start3A_74 = tpu.memref_squeeze %dma_start3A_73 : memref<1x2048xf32, #tpu.memory_space<hbm>> -> memref<2048xf32, #tpu.memory_space<hbm>>
    %dma_start3A_75 = arith.constant 0 : i32
    %dma_start3A_76 = tpu.memref_slice %arg5[%add3A_71, %dma_start3A_75] : memref<128x2048xf32, #tpu.memory_space<hbm>> -> memref<1x2048xf32, #tpu.memory_space<hbm>>
    %dma_start3A_77 = tpu.memref_squeeze %dma_start3A_76 : memref<1x2048xf32, #tpu.memory_space<hbm>> -> memref<2048xf32, #tpu.memory_space<hbm>>
    tpu.enqueue_dma source(%arg19 : memref<2048xf32, #tpu.memory_space<vmem>>) target(%dma_start3A_77 : memref<2048xf32, #tpu.memory_space<hbm>>) target_semaphore(%arg38 : memref<!tpu.dma_semaphore, #tpu.memory_space<semaphore_mem>>)
    %add3A_78 = arith.constant 2 : i32
    %add3A_79 = arith.addi %mul3A_2, %add3A_78 : i32
    %dma_start3A_80 = arith.constant 0 : i32
    %dma_start3A_81 = tpu.memref_slice %arg5[%add3A_79, %dma_start3A_80] : memref<128x2048xf32, #tpu.memory_space<hbm>> -> memref<1x2048xf32, #tpu.memory_space<hbm>>
    %dma_start3A_82 = tpu.memref_squeeze %dma_start3A_81 : memref<1x2048xf32, #tpu.memory_space<hbm>> -> memref<2048xf32, #tpu.memory_space<hbm>>
    %dma_start3A_83 = arith.constant 0 : i32
    %dma_start3A_84 = tpu.memref_slice %arg5[%add3A_79, %dma_start3A_83] : memref<128x2048xf32, #tpu.memory_space<hbm>> -> memref<1x2048xf32, #tpu.memory_space<hbm>>
    %dma_start3A_85 = tpu.memref_squeeze %dma_start3A_84 : memref<1x2048xf32, #tpu.memory_space<hbm>> -> memref<2048xf32, #tpu.memory_space<hbm>>
    tpu.enqueue_dma source(%arg20 : memref<2048xf32, #tpu.memory_space<vmem>>) target(%dma_start3A_85 : memref<2048xf32, #tpu.memory_space<hbm>>) target_semaphore(%arg38 : memref<!tpu.dma_semaphore, #tpu.memory_space<semaphore_mem>>)
    %add3A_86 = arith.constant 3 : i32
    %add3A_87 = arith.addi %mul3A_2, %add3A_86 : i32
    %dma_start3A_88 = arith.constant 0 : i32
    %dma_start3A_89 = tpu.memref_slice %arg5[%add3A_87, %dma_start3A_88] : memref<128x2048xf32, #tpu.memory_space<hbm>> -> memref<1x2048xf32, #tpu.memory_space<hbm>>
    %dma_start3A_90 = tpu.memref_squeeze %dma_start3A_89 : memref<1x2048xf32, #tpu.memory_space<hbm>> -> memref<2048xf32, #tpu.memory_space<hbm>>
    %dma_start3A_91 = arith.constant 0 : i32
    %dma_start3A_92 = tpu.memref_slice %arg5[%add3A_87, %dma_start3A_91] : memref<128x2048xf32, #tpu.memory_space<hbm>> -> memref<1x2048xf32, #tpu.memory_space<hbm>>
    %dma_start3A_93 = tpu.memref_squeeze %dma_start3A_92 : memref<1x2048xf32, #tpu.memory_space<hbm>> -> memref<2048xf32, #tpu.memory_space<hbm>>
    tpu.enqueue_dma source(%arg21 : memref<2048xf32, #tpu.memory_space<vmem>>) target(%dma_start3A_93 : memref<2048xf32, #tpu.memory_space<hbm>>) target_semaphore(%arg38 : memref<!tpu.dma_semaphore, #tpu.memory_space<semaphore_mem>>)
    %parallel_loop3A_94 = arith.constant 0 : i32
    %parallel_loop3A_95 = arith.constant 64 : i32
    %parallel_loop3A_96 = arith.constant 1 : i32
    %parallel_loop3A_97 = arith.constant 0 : i32
    %parallel_loop3A_98 = arith.constant 0 : i32
    %parallel_loop3A_99 = arith.constant 0 : i32
    %parallel_loop3A_100 = arith.constant 0 : i32
    %parallel_loop3A_101:4 = scf.for %parallel_loop3A_277 = %parallel_loop3A_94 to %parallel_loop3A_95 step %parallel_loop3A_96 iter_args(%parallel_loop3A_278 = %parallel_loop3A_97, %parallel_loop3A_279 = %parallel_loop3A_98, %parallel_loop3A_280 = %parallel_loop3A_99, %parallel_loop3A_281 = %parallel_loop3A_100) -> (i32, i32, i32, i32)  : i32 {
      %parallel_loop3A_282 = arith.constant 16 : i32
      %parallel_loop3A_283 = arith.muli %parallel_loop3A_277, %parallel_loop3A_282 : i32
      %parallel_loop3A_284 = arith.index_cast %parallel_loop3A_283 : i32 to index
      %parallel_loop3A_285 = tpu.vector_load %arg22[%parallel_loop3A_284] {strides = array<i32>} : memref<1024xi32, #tpu.memory_space<vmem>>, vector<16xi32>,
      %parallel_loop3A_286 = arith.constant 16 : i32
      %parallel_loop3A_287 = arith.muli %parallel_loop3A_277, %parallel_loop3A_286 : i32
      %parallel_loop3A_288 = arith.index_cast %parallel_loop3A_287 : i32 to index
      %parallel_loop3A_289 = tpu.vector_load %arg23[%parallel_loop3A_288] {strides = array<i32>} : memref<1024xi32, #tpu.memory_space<vmem>>, vector<16xi32>,
      %parallel_loop3A_290 = arith.constant 16 : i32
      %parallel_loop3A_291 = arith.muli %parallel_loop3A_277, %parallel_loop3A_290 : i32
      %parallel_loop3A_292 = arith.index_cast %parallel_loop3A_291 : i32 to index
      %parallel_loop3A_293 = tpu.vector_load %arg24[%parallel_loop3A_292] {strides = array<i32>} : memref<1024xi32, #tpu.memory_space<vmem>>, vector<16xi32>,
      %parallel_loop3A_294 = arith.constant 16 : i32
      %parallel_loop3A_295 = arith.muli %parallel_loop3A_277, %parallel_loop3A_294 : i32
      %parallel_loop3A_296 = arith.index_cast %parallel_loop3A_295 : i32 to index
      %parallel_loop3A_297 = tpu.vector_load %arg25[%parallel_loop3A_296] {strides = array<i32>} : memref<1024xi32, #tpu.memory_space<vmem>>, vector<16xi32>,
      %parallel_loop3A_298 = arith.constant true
      %parallel_loop3A_299 = vector.broadcast %parallel_loop3A_298 : i1 to vector<16xi1>
      %parallel_loop3A_300 = tpu.scan <sum>, %parallel_loop3A_285 masked %parallel_loop3A_299 : vector<16xi32>, vector<16xi1> -> vector<16xi32>
      %parallel_loop3A_301 = arith.constant true
      %parallel_loop3A_302 = vector.broadcast %parallel_loop3A_301 : i1 to vector<16xi1>
      %parallel_loop3A_303 = tpu.scan <sum>, %parallel_loop3A_289 masked %parallel_loop3A_302 : vector<16xi32>, vector<16xi1> -> vector<16xi32>
      %parallel_loop3A_304 = arith.constant true
      %parallel_loop3A_305 = vector.broadcast %parallel_loop3A_304 : i1 to vector<16xi1>
      %parallel_loop3A_306 = tpu.scan <sum>, %parallel_loop3A_293 masked %parallel_loop3A_305 : vector<16xi32>, vector<16xi1> -> vector<16xi32>
      %parallel_loop3A_307 = arith.constant true
      %parallel_loop3A_308 = vector.broadcast %parallel_loop3A_307 : i1 to vector<16xi1>
      %parallel_loop3A_309 = tpu.scan <sum>, %parallel_loop3A_297 masked %parallel_loop3A_308 : vector<16xi32>, vector<16xi1> -> vector<16xi32>
      %parallel_loop3A_310 = arith.constant true
      %parallel_loop3A_311 = vector.broadcast %parallel_loop3A_310 : i1 to vector<16xi1>
      %parallel_loop3A_312 = tpu.scan <sum>, %parallel_loop3A_285 masked %parallel_loop3A_311 : vector<16xi32>, vector<16xi1> -> vector<16xi32>
      %parallel_loop3A_313 = vector.extract %parallel_loop3A_312[15] : i32 from vector<16xi32>
      %parallel_loop3A_314 = arith.constant true
      %parallel_loop3A_315 = vector.broadcast %parallel_loop3A_314 : i1 to vector<16xi1>
      %parallel_loop3A_316 = tpu.scan <sum>, %parallel_loop3A_289 masked %parallel_loop3A_315 : vector<16xi32>, vector<16xi1> -> vector<16xi32>
      %parallel_loop3A_317 = vector.extract %parallel_loop3A_316[15] : i32 from vector<16xi32>
      %parallel_loop3A_318 = arith.constant true
      %parallel_loop3A_319 = vector.broadcast %parallel_loop3A_318 : i1 to vector<16xi1>
      %parallel_loop3A_320 = tpu.scan <sum>, %parallel_loop3A_293 masked %parallel_loop3A_319 : vector<16xi32>, vector<16xi1> -> vector<16xi32>
      %parallel_loop3A_321 = vector.extract %parallel_loop3A_320[15] : i32 from vector<16xi32>
      %parallel_loop3A_322 = arith.constant true
      %parallel_loop3A_323 = vector.broadcast %parallel_loop3A_322 : i1 to vector<16xi1>
      %parallel_loop3A_324 = tpu.scan <sum>, %parallel_loop3A_297 masked %parallel_loop3A_323 : vector<16xi32>, vector<16xi1> -> vector<16xi32>
      %parallel_loop3A_325 = vector.extract %parallel_loop3A_324[15] : i32 from vector<16xi32>
      %parallel_loop3A_326 = arith.subi %parallel_loop3A_300, %parallel_loop3A_285 : vector<16xi32>
      %parallel_loop3A_327 = vector.broadcast %parallel_loop3A_278 : i32 to vector<16xi32>
      %parallel_loop3A_328 = arith.addi %parallel_loop3A_326, %parallel_loop3A_327 : vector<16xi32>
      %parallel_loop3A_329 = arith.constant 16 : i32
      %parallel_loop3A_330 = arith.muli %parallel_loop3A_277, %parallel_loop3A_329 : i32
      %parallel_loop3A_331 = arith.index_cast %parallel_loop3A_330 : i32 to index
      %parallel_loop3A_332 = tpu.vector_load %arg22[%parallel_loop3A_331] {strides = array<i32>} : memref<1024xi32, #tpu.memory_space<vmem>>, vector<16xi32>,
      tpu.vector_store %arg22[%parallel_loop3A_331], %parallel_loop3A_328 {strides = array<i32>} : memref<1024xi32, #tpu.memory_space<vmem>>, vector<16xi32>,
      %parallel_loop3A_333 = arith.subi %parallel_loop3A_303, %parallel_loop3A_289 : vector<16xi32>
      %parallel_loop3A_334 = vector.broadcast %parallel_loop3A_279 : i32 to vector<16xi32>
      %parallel_loop3A_335 = arith.addi %parallel_loop3A_333, %parallel_loop3A_334 : vector<16xi32>
      %parallel_loop3A_336 = arith.constant 16 : i32
      %parallel_loop3A_337 = arith.muli %parallel_loop3A_277, %parallel_loop3A_336 : i32
      %parallel_loop3A_338 = arith.index_cast %parallel_loop3A_337 : i32 to index
      %parallel_loop3A_339 = tpu.vector_load %arg23[%parallel_loop3A_338] {strides = array<i32>} : memref<1024xi32, #tpu.memory_space<vmem>>, vector<16xi32>,
      tpu.vector_store %arg23[%parallel_loop3A_338], %parallel_loop3A_335 {strides = array<i32>} : memref<1024xi32, #tpu.memory_space<vmem>>, vector<16xi32>,
      %parallel_loop3A_340 = arith.subi %parallel_loop3A_306, %parallel_loop3A_293 : vector<16xi32>
      %parallel_loop3A_341 = vector.broadcast %parallel_loop3A_280 : i32 to vector<16xi32>
      %parallel_loop3A_342 = arith.addi %parallel_loop3A_340, %parallel_loop3A_341 : vector<16xi32>
      %parallel_loop3A_343 = arith.constant 16 : i32
      %parallel_loop3A_344 = arith.muli %parallel_loop3A_277, %parallel_loop3A_343 : i32
      %parallel_loop3A_345 = arith.index_cast %parallel_loop3A_344 : i32 to index
      %parallel_loop3A_346 = tpu.vector_load %arg24[%parallel_loop3A_345] {strides = array<i32>} : memref<1024xi32, #tpu.memory_space<vmem>>, vector<16xi32>,
      tpu.vector_store %arg24[%parallel_loop3A_345], %parallel_loop3A_342 {strides = array<i32>} : memref<1024xi32, #tpu.memory_space<vmem>>, vector<16xi32>,
      %parallel_loop3A_347 = arith.subi %parallel_loop3A_309, %parallel_loop3A_297 : vector<16xi32>
      %parallel_loop3A_348 = vector.broadcast %parallel_loop3A_281 : i32 to vector<16xi32>
      %parallel_loop3A_349 = arith.addi %parallel_loop3A_347, %parallel_loop3A_348 : vector<16xi32>
      %parallel_loop3A_350 = arith.constant 16 : i32
      %parallel_loop3A_351 = arith.muli %parallel_loop3A_277, %parallel_loop3A_350 : i32
      %parallel_loop3A_352 = arith.index_cast %parallel_loop3A_351 : i32 to index
      %parallel_loop3A_353 = tpu.vector_load %arg25[%parallel_loop3A_352] {strides = array<i32>} : memref<1024xi32, #tpu.memory_space<vmem>>, vector<16xi32>,
      tpu.vector_store %arg25[%parallel_loop3A_352], %parallel_loop3A_349 {strides = array<i32>} : memref<1024xi32, #tpu.memory_space<vmem>>, vector<16xi32>,
      %parallel_loop3A_354 = arith.addi %parallel_loop3A_278, %parallel_loop3A_313 : i32
      %parallel_loop3A_355 = arith.addi %parallel_loop3A_279, %parallel_loop3A_317 : i32
      %parallel_loop3A_356 = arith.addi %parallel_loop3A_280, %parallel_loop3A_321 : i32
      %parallel_loop3A_357 = arith.addi %parallel_loop3A_281, %parallel_loop3A_325 : i32
      scf.yield %parallel_loop3A_354, %parallel_loop3A_355, %parallel_loop3A_356, %parallel_loop3A_357 : i32, i32, i32, i32
    } {sc.loop_unroll_factor = 2 : i64, sc.parallel_access}
    %broadcast_in_dim3A = arith.constant 0 : i32
    %broadcast_in_dim3A_102 = vector.broadcast %broadcast_in_dim3A : i32 to vector<16xi32>
    %swap3A = arith.constant 192 : index
    %swap3A_103 = tpu.vector_load %arg30[%swap3A] {strides = array<i32>} : memref<208xi32, #tpu.memory_space<vmem>>, vector<16xi32>,
    tpu.vector_store %arg30[%swap3A], %broadcast_in_dim3A_102 {strides = array<i32>} : memref<208xi32, #tpu.memory_space<vmem>>, vector<16xi32>,
    %broadcast_in_dim3A_104 = arith.constant 0 : i32
    %broadcast_in_dim3A_105 = vector.broadcast %broadcast_in_dim3A_104 : i32 to vector<16xi32>
    %swap3A_106 = arith.constant 192 : index
    %swap3A_107 = tpu.vector_load %arg34[%swap3A_106] {strides = array<i32>} : memref<208xi32, #tpu.memory_space<vmem>>, vector<16xi32>,
    tpu.vector_store %arg34[%swap3A_106], %broadcast_in_dim3A_105 {strides = array<i32>} : memref<208xi32, #tpu.memory_space<vmem>>, vector<16xi32>,
    %broadcast_in_dim3A_108 = arith.constant 0 : i32
    %broadcast_in_dim3A_109 = vector.broadcast %broadcast_in_dim3A_108 : i32 to vector<16xi32>
    %swap3A_110 = arith.constant 192 : index
    %swap3A_111 = tpu.vector_load %arg31[%swap3A_110] {strides = array<i32>} : memref<208xi32, #tpu.memory_space<vmem>>, vector<16xi32>,
    tpu.vector_store %arg31[%swap3A_110], %broadcast_in_dim3A_109 {strides = array<i32>} : memref<208xi32, #tpu.memory_space<vmem>>, vector<16xi32>,
    %broadcast_in_dim3A_112 = arith.constant 0 : i32
    %broadcast_in_dim3A_113 = vector.broadcast %broadcast_in_dim3A_112 : i32 to vector<16xi32>
    %swap3A_114 = arith.constant 192 : index
    %swap3A_115 = tpu.vector_load %arg35[%swap3A_114] {strides = array<i32>} : memref<208xi32, #tpu.memory_space<vmem>>, vector<16xi32>,
    tpu.vector_store %arg35[%swap3A_114], %broadcast_in_dim3A_113 {strides = array<i32>} : memref<208xi32, #tpu.memory_space<vmem>>, vector<16xi32>,
    %broadcast_in_dim3A_116 = arith.constant 0 : i32
    %broadcast_in_dim3A_117 = vector.broadcast %broadcast_in_dim3A_116 : i32 to vector<16xi32>
    %swap3A_118 = arith.constant 192 : index
    %swap3A_119 = tpu.vector_load %arg32[%swap3A_118] {strides = array<i32>} : memref<208xi32, #tpu.memory_space<vmem>>, vector<16xi32>,
    tpu.vector_store %arg32[%swap3A_118], %broadcast_in_dim3A_117 {strides = array<i32>} : memref<208xi32, #tpu.memory_space<vmem>>, vector<16xi32>,
    %broadcast_in_dim3A_120 = arith.constant 0 : i32
    %broadcast_in_dim3A_121 = vector.broadcast %broadcast_in_dim3A_120 : i32 to vector<16xi32>
    %swap3A_122 = arith.constant 192 : index
    %swap3A_123 = tpu.vector_load %arg36[%swap3A_122] {strides = array<i32>} : memref<208xi32, #tpu.memory_space<vmem>>, vector<16xi32>,
    tpu.vector_store %arg36[%swap3A_122], %broadcast_in_dim3A_121 {strides = array<i32>} : memref<208xi32, #tpu.memory_space<vmem>>, vector<16xi32>,
    %broadcast_in_dim3A_124 = arith.constant 0 : i32
    %broadcast_in_dim3A_125 = vector.broadcast %broadcast_in_dim3A_124 : i32 to vector<16xi32>
    %swap3A_126 = arith.constant 192 : index
    %swap3A_127 = tpu.vector_load %arg33[%swap3A_126] {strides = array<i32>} : memref<208xi32, #tpu.memory_space<vmem>>, vector<16xi32>,
    tpu.vector_store %arg33[%swap3A_126], %broadcast_in_dim3A_125 {strides = array<i32>} : memref<208xi32, #tpu.memory_space<vmem>>, vector<16xi32>,
    %broadcast_in_dim3A_128 = arith.constant 0 : i32
    %broadcast_in_dim3A_129 = vector.broadcast %broadcast_in_dim3A_128 : i32 to vector<16xi32>
    %swap3A_130 = arith.constant 192 : index
    %swap3A_131 = tpu.vector_load %arg37[%swap3A_130] {strides = array<i32>} : memref<208xi32, #tpu.memory_space<vmem>>, vector<16xi32>,
    tpu.vector_store %arg37[%swap3A_130], %broadcast_in_dim3A_129 {strides = array<i32>} : memref<208xi32, #tpu.memory_space<vmem>>, vector<16xi32>,
    %scan3A = arith.constant 0 : i32
    %scan3A_132 = arith.constant 0 : i32
    %scan3A_133 = arith.constant 128 : i32
    %scan3A_134 = arith.addi %scan3A_132, %scan3A_133 : i32
    %scan3A_135 = arith.constant 1 : i32
    %scan3A_136 = scf.for %scan3A_277 = %scan3A_132 to %scan3A_134 step %scan3A_135 iter_args(%scan3A_278 = %scan3A) -> (i32)  : i32 {
      %mul3A_279 = arith.constant 16 : i32
      %mul3A_280 = arith.muli %scan3A_277, %mul3A_279 : i32
      %iota3A = tpu.iota {dimensions = array<i32: 0>} : vector<16xi32>
      %add3A_281 = vector.broadcast %mul3A_280 : i32 to vector<16xi32>
      %add3A_282 = arith.addi %iota3A, %add3A_281 : vector<16xi32>
      %get3A = arith.index_cast %mul3A_280 : i32 to index
      %get3A_283 = tpu.vector_load %arg14[%get3A] {strides = array<i32>} : memref<2048xi32, #tpu.memory_space<vmem>>, vector<16xi32>,
      %get3A_284 = arith.index_cast %mul3A_280 : i32 to index
      %get3A_285 = tpu.vector_load %arg15[%get3A_284] {strides = array<i32>} : memref<2048xi32, #tpu.memory_space<vmem>>, vector<16xi32>,
      %get3A_286 = arith.index_cast %mul3A_280 : i32 to index
      %get3A_287 = tpu.vector_load %arg16[%get3A_286] {strides = array<i32>} : memref<2048xi32, #tpu.memory_space<vmem>>, vector<16xi32>,
      %get3A_288 = arith.index_cast %mul3A_280 : i32 to index
      %get3A_289 = tpu.vector_load %arg17[%get3A_288] {strides = array<i32>} : memref<2048xi32, #tpu.memory_space<vmem>>, vector<16xi32>,
      %get3A_290 = arith.index_cast %mul3A_280 : i32 to index
      %get3A_291 = tpu.vector_load %arg10[%get3A_290] {strides = array<i32>} : memref<2048xi32, #tpu.memory_space<vmem>>, vector<16xi32>,
      %get3A_292 = arith.index_cast %mul3A_280 : i32 to index
      %get3A_293 = tpu.vector_load %arg11[%get3A_292] {strides = array<i32>} : memref<2048xi32, #tpu.memory_space<vmem>>, vector<16xi32>,
      %get3A_294 = arith.index_cast %mul3A_280 : i32 to index
      %get3A_295 = tpu.vector_load %arg12[%get3A_294] {strides = array<i32>} : memref<2048xi32, #tpu.memory_space<vmem>>, vector<16xi32>,
      %get3A_296 = arith.index_cast %mul3A_280 : i32 to index
      %get3A_297 = tpu.vector_load %arg13[%get3A_296] {strides = array<i32>} : memref<2048xi32, #tpu.memory_space<vmem>>, vector<16xi32>,
      %gather3A = tpu.vector_load_idx %arg22[%get3A_283] : memref<1024xi32, #tpu.memory_space<vmem>>[vector<16xi32>], vector<16xi32>,
      %gather3A_298 = tpu.vector_load_idx %arg23[%get3A_285] : memref<1024xi32, #tpu.memory_space<vmem>>[vector<16xi32>], vector<16xi32>,
      %gather3A_299 = tpu.vector_load_idx %arg24[%get3A_287] : memref<1024xi32, #tpu.memory_space<vmem>>[vector<16xi32>], vector<16xi32>,
      %gather3A_300 = tpu.vector_load_idx %arg25[%get3A_289] : memref<1024xi32, #tpu.memory_space<vmem>>[vector<16xi32>], vector<16xi32>,
      %broadcast_in_dim3A_301 = arith.constant true
      %broadcast_in_dim3A_302 = vector.broadcast %broadcast_in_dim3A_301 : i1 to vector<16xi1>
      %unique3A, %unique3A_303 = tpu.scan_count mask(%broadcast_in_dim3A_302 : vector<16xi1>) value(%get3A_283 : vector<16xi32>) : vector<16xi1>, vector<16xi32>
      %broadcast_in_dim3A_304 = arith.constant true
      %broadcast_in_dim3A_305 = vector.broadcast %broadcast_in_dim3A_304 : i1 to vector<16xi1>
      %unique3A_306, %unique3A_307 = tpu.scan_count mask(%broadcast_in_dim3A_305 : vector<16xi1>) value(%get3A_285 : vector<16xi32>) : vector<16xi1>, vector<16xi32>
      %broadcast_in_dim3A_308 = arith.constant true
      %broadcast_in_dim3A_309 = vector.broadcast %broadcast_in_dim3A_308 : i1 to vector<16xi1>
      %unique3A_310, %unique3A_311 = tpu.scan_count mask(%broadcast_in_dim3A_309 : vector<16xi1>) value(%get3A_287 : vector<16xi32>) : vector<16xi1>, vector<16xi32>
      %broadcast_in_dim3A_312 = arith.constant true
      %broadcast_in_dim3A_313 = vector.broadcast %broadcast_in_dim3A_312 : i1 to vector<16xi1>
      %unique3A_314, %unique3A_315 = tpu.scan_count mask(%broadcast_in_dim3A_313 : vector<16xi1>) value(%get3A_289 : vector<16xi32>) : vector<16xi1>, vector<16xi32>
      %add3A_316 = arith.addi %gather3A, %unique3A_303 : vector<16xi32>
      %sub3A = arith.constant 1 : i32
      %sub3A_317 = vector.broadcast %sub3A : i32 to vector<16xi32>
      %sub3A_318 = arith.subi %add3A_316, %sub3A_317 : vector<16xi32>
      %add3A_319 = arith.constant 1 : i32
      %add3A_320 = vector.broadcast %add3A_319 : i32 to vector<16xi32>
      %add3A_321 = arith.addi %sub3A_318, %add3A_320 : vector<16xi32>
      tpu.vector_store_idx %arg22[%get3A_283], %add3A_321 masked %unique3A : memref<1024xi32, #tpu.memory_space<vmem>>[vector<16xi32>], vector<16xi32>, vector<16xi1>
      %lt3A = arith.constant 204 : i32
      %lt3A_322 = vector.broadcast %lt3A : i32 to vector<16xi32>
      %lt3A_323 = arith.cmpi slt, %sub3A_318, %lt3A_322 : vector<16xi32>
      tpu.vector_store_idx %arg30[%sub3A_318], %add3A_282 masked %lt3A_323 : memref<208xi32, #tpu.memory_space<vmem>>[vector<16xi32>], vector<16xi32>, vector<16xi1>
      tpu.vector_store_idx %arg34[%sub3A_318], %get3A_291 masked %lt3A_323 : memref<208xi32, #tpu.memory_space<vmem>>[vector<16xi32>], vector<16xi32>, vector<16xi1>
      %add3A_324 = arith.addi %gather3A_298, %unique3A_307 : vector<16xi32>
      %sub3A_325 = arith.constant 1 : i32
      %sub3A_326 = vector.broadcast %sub3A_325 : i32 to vector<16xi32>
      %sub3A_327 = arith.subi %add3A_324, %sub3A_326 : vector<16xi32>
      %add3A_328 = arith.constant 1 : i32
      %add3A_329 = vector.broadcast %add3A_328 : i32 to vector<16xi32>
      %add3A_330 = arith.addi %sub3A_327, %add3A_329 : vector<16xi32>
      tpu.vector_store_idx %arg23[%get3A_285], %add3A_330 masked %unique3A_306 : memref<1024xi32, #tpu.memory_space<vmem>>[vector<16xi32>], vector<16xi32>, vector<16xi1>
      %lt3A_331 = arith.constant 204 : i32
      %lt3A_332 = vector.broadcast %lt3A_331 : i32 to vector<16xi32>
      %lt3A_333 = arith.cmpi slt, %sub3A_327, %lt3A_332 : vector<16xi32>
      tpu.vector_store_idx %arg31[%sub3A_327], %add3A_282 masked %lt3A_333 : memref<208xi32, #tpu.memory_space<vmem>>[vector<16xi32>], vector<16xi32>, vector<16xi1>
      tpu.vector_store_idx %arg35[%sub3A_327], %get3A_293 masked %lt3A_333 : memref<208xi32, #tpu.memory_space<vmem>>[vector<16xi32>], vector<16xi32>, vector<16xi1>
      %add3A_334 = arith.addi %gather3A_299, %unique3A_311 : vector<16xi32>
      %sub3A_335 = arith.constant 1 : i32
      %sub3A_336 = vector.broadcast %sub3A_335 : i32 to vector<16xi32>
      %sub3A_337 = arith.subi %add3A_334, %sub3A_336 : vector<16xi32>
      %add3A_338 = arith.constant 1 : i32
      %add3A_339 = vector.broadcast %add3A_338 : i32 to vector<16xi32>
      %add3A_340 = arith.addi %sub3A_337, %add3A_339 : vector<16xi32>
      tpu.vector_store_idx %arg24[%get3A_287], %add3A_340 masked %unique3A_310 : memref<1024xi32, #tpu.memory_space<vmem>>[vector<16xi32>], vector<16xi32>, vector<16xi1>
      %lt3A_341 = arith.constant 204 : i32
      %lt3A_342 = vector.broadcast %lt3A_341 : i32 to vector<16xi32>
      %lt3A_343 = arith.cmpi slt, %sub3A_337, %lt3A_342 : vector<16xi32>
      tpu.vector_store_idx %arg32[%sub3A_337], %add3A_282 masked %lt3A_343 : memref<208xi32, #tpu.memory_space<vmem>>[vector<16xi32>], vector<16xi32>, vector<16xi1>
      tpu.vector_store_idx %arg36[%sub3A_337], %get3A_295 masked %lt3A_343 : memref<208xi32, #tpu.memory_space<vmem>>[vector<16xi32>], vector<16xi32>, vector<16xi1>
      %add3A_344 = arith.addi %gather3A_300, %unique3A_315 : vector<16xi32>
      %sub3A_345 = arith.constant 1 : i32
      %sub3A_346 = vector.broadcast %sub3A_345 : i32 to vector<16xi32>
      %sub3A_347 = arith.subi %add3A_344, %sub3A_346 : vector<16xi32>
      %add3A_348 = arith.constant 1 : i32
      %add3A_349 = vector.broadcast %add3A_348 : i32 to vector<16xi32>
      %add3A_350 = arith.addi %sub3A_347, %add3A_349 : vector<16xi32>
      tpu.vector_store_idx %arg25[%get3A_289], %add3A_350 masked %unique3A_314 : memref<1024xi32, #tpu.memory_space<vmem>>[vector<16xi32>], vector<16xi32>, vector<16xi1>
      %lt3A_351 = arith.constant 204 : i32
      %lt3A_352 = vector.broadcast %lt3A_351 : i32 to vector<16xi32>
      %lt3A_353 = arith.cmpi slt, %sub3A_347, %lt3A_352 : vector<16xi32>
      tpu.vector_store_idx %arg33[%sub3A_347], %add3A_282 masked %lt3A_353 : memref<208xi32, #tpu.memory_space<vmem>>[vector<16xi32>], vector<16xi32>, vector<16xi1>
      tpu.vector_store_idx %arg37[%sub3A_347], %get3A_297 masked %lt3A_353 : memref<208xi32, #tpu.memory_space<vmem>>[vector<16xi32>], vector<16xi32>, vector<16xi1>
      %scan3A_354 = arith.constant 0 : i32
      scf.yield %scan3A_354 : i32
    }
    %scan3A_137 = arith.constant 128 : i32
    %parallel_loop3A_138 = arith.constant 0 : i32
    %parallel_loop3A_139 = arith.constant 13 : i32
    %parallel_loop3A_140 = arith.constant 1 : i32
    scf.for %parallel_loop3A_277 = %parallel_loop3A_138 to %parallel_loop3A_139 step %parallel_loop3A_140  : i32 {
      %parallel_loop3A_278 = arith.constant 16 : i32
      %parallel_loop3A_279 = arith.muli %parallel_loop3A_277, %parallel_loop3A_278 : i32
      %parallel_loop3A_280 = tpu.iota {dimensions = array<i32: 0>} : vector<16xi32>
      %parallel_loop3A_281 = vector.broadcast %parallel_loop3A_279 : i32 to vector<16xi32>
      %parallel_loop3A_282 = arith.addi %parallel_loop3A_280, %parallel_loop3A_281 : vector<16xi32>
      %parallel_loop3A_283 = arith.constant 204 : i32
      %parallel_loop3A_284 = vector.broadcast %parallel_loop3A_283 : i32 to vector<16xi32>
      %parallel_loop3A_285 = arith.cmpi slt, %parallel_loop3A_282, %parallel_loop3A_284 : vector<16xi32>
      %parallel_loop3A_286 = arith.index_cast %parallel_loop3A_279 : i32 to index
      %parallel_loop3A_287 = tpu.vector_load %arg34[%parallel_loop3A_286] {strides = array<i32>} : memref<208xi32, #tpu.memory_space<vmem>>, vector<16xi32>,
      %parallel_loop3A_288 = arith.index_cast %parallel_loop3A_279 : i32 to index
      %parallel_loop3A_289 = tpu.vector_load %arg35[%parallel_loop3A_288] {strides = array<i32>} : memref<208xi32, #tpu.memory_space<vmem>>, vector<16xi32>,
      %parallel_loop3A_290 = arith.index_cast %parallel_loop3A_279 : i32 to index
      %parallel_loop3A_291 = tpu.vector_load %arg36[%parallel_loop3A_290] {strides = array<i32>} : memref<208xi32, #tpu.memory_space<vmem>>, vector<16xi32>,
      %parallel_loop3A_292 = arith.index_cast %parallel_loop3A_279 : i32 to index
      %parallel_loop3A_293 = tpu.vector_load %arg37[%parallel_loop3A_292] {strides = array<i32>} : memref<208xi32, #tpu.memory_space<vmem>>, vector<16xi32>,
      %parallel_loop3A_294 = arith.constant 1024 : i32
      %parallel_loop3A_295 = vector.broadcast %parallel_loop3A_294 : i32 to vector<16xi32>
      %parallel_loop3A_296 = arith.addi %parallel_loop3A_295, %parallel_loop3A_280 : vector<16xi32>
      %parallel_loop3A_297 = arith.select %parallel_loop3A_285, %parallel_loop3A_287, %parallel_loop3A_296 : vector<16xi1>, vector<16xi32>
      %parallel_loop3A_298 = arith.constant 1024 : i32
      %parallel_loop3A_299 = vector.broadcast %parallel_loop3A_298 : i32 to vector<16xi32>
      %parallel_loop3A_300 = arith.addi %parallel_loop3A_299, %parallel_loop3A_280 : vector<16xi32>
      %parallel_loop3A_301 = arith.select %parallel_loop3A_285, %parallel_loop3A_289, %parallel_loop3A_300 : vector<16xi1>, vector<16xi32>
      %parallel_loop3A_302 = arith.constant 1024 : i32
      %parallel_loop3A_303 = vector.broadcast %parallel_loop3A_302 : i32 to vector<16xi32>
      %parallel_loop3A_304 = arith.addi %parallel_loop3A_303, %parallel_loop3A_280 : vector<16xi32>
      %parallel_loop3A_305 = arith.select %parallel_loop3A_285, %parallel_loop3A_291, %parallel_loop3A_304 : vector<16xi1>, vector<16xi32>
      %parallel_loop3A_306 = arith.constant 1024 : i32
      %parallel_loop3A_307 = vector.broadcast %parallel_loop3A_306 : i32 to vector<16xi32>
      %parallel_loop3A_308 = arith.addi %parallel_loop3A_307, %parallel_loop3A_280 : vector<16xi32>
      %parallel_loop3A_309 = arith.select %parallel_loop3A_285, %parallel_loop3A_293, %parallel_loop3A_308 : vector<16xi1>, vector<16xi32>
      %parallel_loop3A_310 = arith.constant true
      %parallel_loop3A_311 = vector.broadcast %parallel_loop3A_310 : i1 to vector<16xi1>
      %parallel_loop3A_312, %parallel_loop3A_313 = tpu.scan_count mask(%parallel_loop3A_311 : vector<16xi1>) value(%parallel_loop3A_297 : vector<16xi32>) : vector<16xi1>, vector<16xi32>
      %parallel_loop3A_314 = arith.constant true
      %parallel_loop3A_315 = vector.broadcast %parallel_loop3A_314 : i1 to vector<16xi1>
      %parallel_loop3A_316, %parallel_loop3A_317 = tpu.scan_count mask(%parallel_loop3A_315 : vector<16xi1>) value(%parallel_loop3A_301 : vector<16xi32>) : vector<16xi1>, vector<16xi32>
      %parallel_loop3A_318 = arith.constant true
      %parallel_loop3A_319 = vector.broadcast %parallel_loop3A_318 : i1 to vector<16xi1>
      %parallel_loop3A_320, %parallel_loop3A_321 = tpu.scan_count mask(%parallel_loop3A_319 : vector<16xi1>) value(%parallel_loop3A_305 : vector<16xi32>) : vector<16xi1>, vector<16xi32>
      %parallel_loop3A_322 = arith.constant true
      %parallel_loop3A_323 = vector.broadcast %parallel_loop3A_322 : i1 to vector<16xi1>
      %parallel_loop3A_324, %parallel_loop3A_325 = tpu.scan_count mask(%parallel_loop3A_323 : vector<16xi1>) value(%parallel_loop3A_309 : vector<16xi32>) : vector<16xi1>, vector<16xi32>
      %parallel_loop3A_326 = arith.andi %parallel_loop3A_312, %parallel_loop3A_285 : vector<16xi1>
      %parallel_loop3A_327 = arith.sitofp %parallel_loop3A_313 : vector<16xi32> to vector<16xf32>
      tpu.vector_store_idx %arg26[%parallel_loop3A_287], %parallel_loop3A_327 masked %parallel_loop3A_326 {add = true} : memref<1024xf32, #tpu.memory_space<vmem>>[vector<16xi32>], vector<16xf32>, vector<16xi1>
      %parallel_loop3A_328 = arith.andi %parallel_loop3A_316, %parallel_loop3A_285 : vector<16xi1>
      %parallel_loop3A_329 = arith.sitofp %parallel_loop3A_317 : vector<16xi32> to vector<16xf32>
      tpu.vector_store_idx %arg27[%parallel_loop3A_289], %parallel_loop3A_329 masked %parallel_loop3A_328 {add = true} : memref<1024xf32, #tpu.memory_space<vmem>>[vector<16xi32>], vector<16xf32>, vector<16xi1>
      %parallel_loop3A_330 = arith.andi %parallel_loop3A_320, %parallel_loop3A_285 : vector<16xi1>
      %parallel_loop3A_331 = arith.sitofp %parallel_loop3A_321 : vector<16xi32> to vector<16xf32>
      tpu.vector_store_idx %arg28[%parallel_loop3A_291], %parallel_loop3A_331 masked %parallel_loop3A_330 {add = true} : memref<1024xf32, #tpu.memory_space<vmem>>[vector<16xi32>], vector<16xf32>, vector<16xi1>
      %parallel_loop3A_332 = arith.andi %parallel_loop3A_324, %parallel_loop3A_285 : vector<16xi1>
      %parallel_loop3A_333 = arith.sitofp %parallel_loop3A_325 : vector<16xi32> to vector<16xf32>
      tpu.vector_store_idx %arg29[%parallel_loop3A_293], %parallel_loop3A_333 masked %parallel_loop3A_332 {add = true} : memref<1024xf32, #tpu.memory_space<vmem>>[vector<16xi32>], vector<16xf32>, vector<16xi1>
    } {sc.loop_unroll_factor = 2 : i64, sc.parallel_access}
    %add3A_141 = arith.constant 0 : i32
    %add3A_142 = arith.addi %mul3A_2, %add3A_141 : i32
    %dma_start3A_143 = arith.constant 0 : i32
    %dma_start3A_144 = tpu.memref_slice %arg6[%add3A_142, %dma_start3A_143] : memref<128x208xi32, #tpu.memory_space<hbm>> -> memref<1x208xi32, #tpu.memory_space<hbm>>
    %dma_start3A_145 = tpu.memref_squeeze %dma_start3A_144 : memref<1x208xi32, #tpu.memory_space<hbm>> -> memref<208xi32, #tpu.memory_space<hbm>>
    %dma_start3A_146 = arith.constant 0 : i32
    %dma_start3A_147 = tpu.memref_slice %arg6[%add3A_142, %dma_start3A_146] : memref<128x208xi32, #tpu.memory_space<hbm>> -> memref<1x208xi32, #tpu.memory_space<hbm>>
    %dma_start3A_148 = tpu.memref_squeeze %dma_start3A_147 : memref<1x208xi32, #tpu.memory_space<hbm>> -> memref<208xi32, #tpu.memory_space<hbm>>
    tpu.enqueue_dma source(%arg30 : memref<208xi32, #tpu.memory_space<vmem>>) target(%dma_start3A_148 : memref<208xi32, #tpu.memory_space<hbm>>) target_semaphore(%arg38 : memref<!tpu.dma_semaphore, #tpu.memory_space<semaphore_mem>>)
    %add3A_149 = arith.constant 1 : i32
    %add3A_150 = arith.addi %mul3A_2, %add3A_149 : i32
    %dma_start3A_151 = arith.constant 0 : i32
    %dma_start3A_152 = tpu.memref_slice %arg6[%add3A_150, %dma_start3A_151] : memref<128x208xi32, #tpu.memory_space<hbm>> -> memref<1x208xi32, #tpu.memory_space<hbm>>
    %dma_start3A_153 = tpu.memref_squeeze %dma_start3A_152 : memref<1x208xi32, #tpu.memory_space<hbm>> -> memref<208xi32, #tpu.memory_space<hbm>>
    %dma_start3A_154 = arith.constant 0 : i32
    %dma_start3A_155 = tpu.memref_slice %arg6[%add3A_150, %dma_start3A_154] : memref<128x208xi32, #tpu.memory_space<hbm>> -> memref<1x208xi32, #tpu.memory_space<hbm>>
    %dma_start3A_156 = tpu.memref_squeeze %dma_start3A_155 : memref<1x208xi32, #tpu.memory_space<hbm>> -> memref<208xi32, #tpu.memory_space<hbm>>
    tpu.enqueue_dma source(%arg31 : memref<208xi32, #tpu.memory_space<vmem>>) target(%dma_start3A_156 : memref<208xi32, #tpu.memory_space<hbm>>) target_semaphore(%arg38 : memref<!tpu.dma_semaphore, #tpu.memory_space<semaphore_mem>>)
    %add3A_157 = arith.constant 2 : i32
    %add3A_158 = arith.addi %mul3A_2, %add3A_157 : i32
    %dma_start3A_159 = arith.constant 0 : i32
    %dma_start3A_160 = tpu.memref_slice %arg6[%add3A_158, %dma_start3A_159] : memref<128x208xi32, #tpu.memory_space<hbm>> -> memref<1x208xi32, #tpu.memory_space<hbm>>
    %dma_start3A_161 = tpu.memref_squeeze %dma_start3A_160 : memref<1x208xi32, #tpu.memory_space<hbm>> -> memref<208xi32, #tpu.memory_space<hbm>>
    %dma_start3A_162 = arith.constant 0 : i32
    %dma_start3A_163 = tpu.memref_slice %arg6[%add3A_158, %dma_start3A_162] : memref<128x208xi32, #tpu.memory_space<hbm>> -> memref<1x208xi32, #tpu.memory_space<hbm>>
    %dma_start3A_164 = tpu.memref_squeeze %dma_start3A_163 : memref<1x208xi32, #tpu.memory_space<hbm>> -> memref<208xi32, #tpu.memory_space<hbm>>
    tpu.enqueue_dma source(%arg32 : memref<208xi32, #tpu.memory_space<vmem>>) target(%dma_start3A_164 : memref<208xi32, #tpu.memory_space<hbm>>) target_semaphore(%arg38 : memref<!tpu.dma_semaphore, #tpu.memory_space<semaphore_mem>>)
    %add3A_165 = arith.constant 3 : i32
    %add3A_166 = arith.addi %mul3A_2, %add3A_165 : i32
    %dma_start3A_167 = arith.constant 0 : i32
    %dma_start3A_168 = tpu.memref_slice %arg6[%add3A_166, %dma_start3A_167] : memref<128x208xi32, #tpu.memory_space<hbm>> -> memref<1x208xi32, #tpu.memory_space<hbm>>
    %dma_start3A_169 = tpu.memref_squeeze %dma_start3A_168 : memref<1x208xi32, #tpu.memory_space<hbm>> -> memref<208xi32, #tpu.memory_space<hbm>>
    %dma_start3A_170 = arith.constant 0 : i32
    %dma_start3A_171 = tpu.memref_slice %arg6[%add3A_166, %dma_start3A_170] : memref<128x208xi32, #tpu.memory_space<hbm>> -> memref<1x208xi32, #tpu.memory_space<hbm>>
    %dma_start3A_172 = tpu.memref_squeeze %dma_start3A_171 : memref<1x208xi32, #tpu.memory_space<hbm>> -> memref<208xi32, #tpu.memory_space<hbm>>
    tpu.enqueue_dma source(%arg33 : memref<208xi32, #tpu.memory_space<vmem>>) target(%dma_start3A_172 : memref<208xi32, #tpu.memory_space<hbm>>) target_semaphore(%arg38 : memref<!tpu.dma_semaphore, #tpu.memory_space<semaphore_mem>>)
    %add3A_173 = arith.constant 0 : i32
    %add3A_174 = arith.addi %mul3A_2, %add3A_173 : i32
    %dma_start3A_175 = arith.constant 0 : i32
    %dma_start3A_176 = tpu.memref_slice %arg7[%add3A_174, %dma_start3A_175] : memref<128x1024xf32, #tpu.memory_space<hbm>> -> memref<1x1024xf32, #tpu.memory_space<hbm>>
    %dma_start3A_177 = tpu.memref_squeeze %dma_start3A_176 : memref<1x1024xf32, #tpu.memory_space<hbm>> -> memref<1024xf32, #tpu.memory_space<hbm>>
    %dma_start3A_178 = arith.constant 0 : i32
    %dma_start3A_179 = tpu.memref_slice %arg7[%add3A_174, %dma_start3A_178] : memref<128x1024xf32, #tpu.memory_space<hbm>> -> memref<1x1024xf32, #tpu.memory_space<hbm>>
    %dma_start3A_180 = tpu.memref_squeeze %dma_start3A_179 : memref<1x1024xf32, #tpu.memory_space<hbm>> -> memref<1024xf32, #tpu.memory_space<hbm>>
    tpu.enqueue_dma source(%arg26 : memref<1024xf32, #tpu.memory_space<vmem>>) target(%dma_start3A_180 : memref<1024xf32, #tpu.memory_space<hbm>>) target_semaphore(%arg38 : memref<!tpu.dma_semaphore, #tpu.memory_space<semaphore_mem>>)
    %add3A_181 = arith.constant 1 : i32
    %add3A_182 = arith.addi %mul3A_2, %add3A_181 : i32
    %dma_start3A_183 = arith.constant 0 : i32
    %dma_start3A_184 = tpu.memref_slice %arg7[%add3A_182, %dma_start3A_183] : memref<128x1024xf32, #tpu.memory_space<hbm>> -> memref<1x1024xf32, #tpu.memory_space<hbm>>
    %dma_start3A_185 = tpu.memref_squeeze %dma_start3A_184 : memref<1x1024xf32, #tpu.memory_space<hbm>> -> memref<1024xf32, #tpu.memory_space<hbm>>
    %dma_start3A_186 = arith.constant 0 : i32
    %dma_start3A_187 = tpu.memref_slice %arg7[%add3A_182, %dma_start3A_186] : memref<128x1024xf32, #tpu.memory_space<hbm>> -> memref<1x1024xf32, #tpu.memory_space<hbm>>
    %dma_start3A_188 = tpu.memref_squeeze %dma_start3A_187 : memref<1x1024xf32, #tpu.memory_space<hbm>> -> memref<1024xf32, #tpu.memory_space<hbm>>
    tpu.enqueue_dma source(%arg27 : memref<1024xf32, #tpu.memory_space<vmem>>) target(%dma_start3A_188 : memref<1024xf32, #tpu.memory_space<hbm>>) target_semaphore(%arg38 : memref<!tpu.dma_semaphore, #tpu.memory_space<semaphore_mem>>)
    %add3A_189 = arith.constant 2 : i32
    %add3A_190 = arith.addi %mul3A_2, %add3A_189 : i32
    %dma_start3A_191 = arith.constant 0 : i32
    %dma_start3A_192 = tpu.memref_slice %arg7[%add3A_190, %dma_start3A_191] : memref<128x1024xf32, #tpu.memory_space<hbm>> -> memref<1x1024xf32, #tpu.memory_space<hbm>>
    %dma_start3A_193 = tpu.memref_squeeze %dma_start3A_192 : memref<1x1024xf32, #tpu.memory_space<hbm>> -> memref<1024xf32, #tpu.memory_space<hbm>>
    %dma_start3A_194 = arith.constant 0 : i32
    %dma_start3A_195 = tpu.memref_slice %arg7[%add3A_190, %dma_start3A_194] : memref<128x1024xf32, #tpu.memory_space<hbm>> -> memref<1x1024xf32, #tpu.memory_space<hbm>>
    %dma_start3A_196 = tpu.memref_squeeze %dma_start3A_195 : memref<1x1024xf32, #tpu.memory_space<hbm>> -> memref<1024xf32, #tpu.memory_space<hbm>>
    tpu.enqueue_dma source(%arg28 : memref<1024xf32, #tpu.memory_space<vmem>>) target(%dma_start3A_196 : memref<1024xf32, #tpu.memory_space<hbm>>) target_semaphore(%arg38 : memref<!tpu.dma_semaphore, #tpu.memory_space<semaphore_mem>>)
    %add3A_197 = arith.constant 3 : i32
    %add3A_198 = arith.addi %mul3A_2, %add3A_197 : i32
    %dma_start3A_199 = arith.constant 0 : i32
    %dma_start3A_200 = tpu.memref_slice %arg7[%add3A_198, %dma_start3A_199] : memref<128x1024xf32, #tpu.memory_space<hbm>> -> memref<1x1024xf32, #tpu.memory_space<hbm>>
    %dma_start3A_201 = tpu.memref_squeeze %dma_start3A_200 : memref<1x1024xf32, #tpu.memory_space<hbm>> -> memref<1024xf32, #tpu.memory_space<hbm>>
    %dma_start3A_202 = arith.constant 0 : i32
    %dma_start3A_203 = tpu.memref_slice %arg7[%add3A_198, %dma_start3A_202] : memref<128x1024xf32, #tpu.memory_space<hbm>> -> memref<1x1024xf32, #tpu.memory_space<hbm>>
    %dma_start3A_204 = tpu.memref_squeeze %dma_start3A_203 : memref<1x1024xf32, #tpu.memory_space<hbm>> -> memref<1024xf32, #tpu.memory_space<hbm>>
    tpu.enqueue_dma source(%arg29 : memref<1024xf32, #tpu.memory_space<vmem>>) target(%dma_start3A_204 : memref<1024xf32, #tpu.memory_space<hbm>>) target_semaphore(%arg38 : memref<!tpu.dma_semaphore, #tpu.memory_space<semaphore_mem>>)
    %dma_wait3A_205 = arith.constant 0 : i32
    %dma_wait3A_206 = tpu.memref_slice %arg5[%add3A_63, %dma_wait3A_205] : memref<128x2048xf32, #tpu.memory_space<hbm>> -> memref<1x2048xf32, #tpu.memory_space<hbm>>
    %dma_wait3A_207 = tpu.memref_squeeze %dma_wait3A_206 : memref<1x2048xf32, #tpu.memory_space<hbm>> -> memref<2048xf32, #tpu.memory_space<hbm>>
    %dma_wait3A_208 = arith.constant 0 : i32
    %dma_wait3A_209 = tpu.memref_slice %arg5[%add3A_63, %dma_wait3A_208] : memref<128x2048xf32, #tpu.memory_space<hbm>> -> memref<1x2048xf32, #tpu.memory_space<hbm>>
    %dma_wait3A_210 = tpu.memref_squeeze %dma_wait3A_209 : memref<1x2048xf32, #tpu.memory_space<hbm>> -> memref<2048xf32, #tpu.memory_space<hbm>>
    tpu.wait_dma2 semaphore(%arg38 : memref<!tpu.dma_semaphore, #tpu.memory_space<semaphore_mem>>) src(%arg18 : memref<2048xf32, #tpu.memory_space<vmem>>) dst(%dma_wait3A_210 : memref<2048xf32, #tpu.memory_space<hbm>>)
    %dma_wait3A_211 = arith.constant 0 : i32
    %dma_wait3A_212 = tpu.memref_slice %arg5[%add3A_71, %dma_wait3A_211] : memref<128x2048xf32, #tpu.memory_space<hbm>> -> memref<1x2048xf32, #tpu.memory_space<hbm>>
    %dma_wait3A_213 = tpu.memref_squeeze %dma_wait3A_212 : memref<1x2048xf32, #tpu.memory_space<hbm>> -> memref<2048xf32, #tpu.memory_space<hbm>>
    %dma_wait3A_214 = arith.constant 0 : i32
    %dma_wait3A_215 = tpu.memref_slice %arg5[%add3A_71, %dma_wait3A_214] : memref<128x2048xf32, #tpu.memory_space<hbm>> -> memref<1x2048xf32, #tpu.memory_space<hbm>>
    %dma_wait3A_216 = tpu.memref_squeeze %dma_wait3A_215 : memref<1x2048xf32, #tpu.memory_space<hbm>> -> memref<2048xf32, #tpu.memory_space<hbm>>
    tpu.wait_dma2 semaphore(%arg38 : memref<!tpu.dma_semaphore, #tpu.memory_space<semaphore_mem>>) src(%arg19 : memref<2048xf32, #tpu.memory_space<vmem>>) dst(%dma_wait3A_216 : memref<2048xf32, #tpu.memory_space<hbm>>)
    %dma_wait3A_217 = arith.constant 0 : i32
    %dma_wait3A_218 = tpu.memref_slice %arg5[%add3A_79, %dma_wait3A_217] : memref<128x2048xf32, #tpu.memory_space<hbm>> -> memref<1x2048xf32, #tpu.memory_space<hbm>>
    %dma_wait3A_219 = tpu.memref_squeeze %dma_wait3A_218 : memref<1x2048xf32, #tpu.memory_space<hbm>> -> memref<2048xf32, #tpu.memory_space<hbm>>
    %dma_wait3A_220 = arith.constant 0 : i32
    %dma_wait3A_221 = tpu.memref_slice %arg5[%add3A_79, %dma_wait3A_220] : memref<128x2048xf32, #tpu.memory_space<hbm>> -> memref<1x2048xf32, #tpu.memory_space<hbm>>
    %dma_wait3A_222 = tpu.memref_squeeze %dma_wait3A_221 : memref<1x2048xf32, #tpu.memory_space<hbm>> -> memref<2048xf32, #tpu.memory_space<hbm>>
    tpu.wait_dma2 semaphore(%arg38 : memref<!tpu.dma_semaphore, #tpu.memory_space<semaphore_mem>>) src(%arg20 : memref<2048xf32, #tpu.memory_space<vmem>>) dst(%dma_wait3A_222 : memref<2048xf32, #tpu.memory_space<hbm>>)
    %dma_wait3A_223 = arith.constant 0 : i32
    %dma_wait3A_224 = tpu.memref_slice %arg5[%add3A_87, %dma_wait3A_223] : memref<128x2048xf32, #tpu.memory_space<hbm>> -> memref<1x2048xf32, #tpu.memory_space<hbm>>
    %dma_wait3A_225 = tpu.memref_squeeze %dma_wait3A_224 : memref<1x2048xf32, #tpu.memory_space<hbm>> -> memref<2048xf32, #tpu.memory_space<hbm>>
    %dma_wait3A_226 = arith.constant 0 : i32
    %dma_wait3A_227 = tpu.memref_slice %arg5[%add3A_87, %dma_wait3A_226] : memref<128x2048xf32, #tpu.memory_space<hbm>> -> memref<1x2048xf32, #tpu.memory_space<hbm>>
    %dma_wait3A_228 = tpu.memref_squeeze %dma_wait3A_227 : memref<1x2048xf32, #tpu.memory_space<hbm>> -> memref<2048xf32, #tpu.memory_space<hbm>>
    tpu.wait_dma2 semaphore(%arg38 : memref<!tpu.dma_semaphore, #tpu.memory_space<semaphore_mem>>) src(%arg21 : memref<2048xf32, #tpu.memory_space<vmem>>) dst(%dma_wait3A_228 : memref<2048xf32, #tpu.memory_space<hbm>>)
    %dma_wait3A_229 = arith.constant 0 : i32
    %dma_wait3A_230 = tpu.memref_slice %arg6[%add3A_142, %dma_wait3A_229] : memref<128x208xi32, #tpu.memory_space<hbm>> -> memref<1x208xi32, #tpu.memory_space<hbm>>
    %dma_wait3A_231 = tpu.memref_squeeze %dma_wait3A_230 : memref<1x208xi32, #tpu.memory_space<hbm>> -> memref<208xi32, #tpu.memory_space<hbm>>
    %dma_wait3A_232 = arith.constant 0 : i32
    %dma_wait3A_233 = tpu.memref_slice %arg6[%add3A_142, %dma_wait3A_232] : memref<128x208xi32, #tpu.memory_space<hbm>> -> memref<1x208xi32, #tpu.memory_space<hbm>>
    %dma_wait3A_234 = tpu.memref_squeeze %dma_wait3A_233 : memref<1x208xi32, #tpu.memory_space<hbm>> -> memref<208xi32, #tpu.memory_space<hbm>>
    tpu.wait_dma2 semaphore(%arg38 : memref<!tpu.dma_semaphore, #tpu.memory_space<semaphore_mem>>) src(%arg30 : memref<208xi32, #tpu.memory_space<vmem>>) dst(%dma_wait3A_234 : memref<208xi32, #tpu.memory_space<hbm>>)
    %dma_wait3A_235 = arith.constant 0 : i32
    %dma_wait3A_236 = tpu.memref_slice %arg6[%add3A_150, %dma_wait3A_235] : memref<128x208xi32, #tpu.memory_space<hbm>> -> memref<1x208xi32, #tpu.memory_space<hbm>>
    %dma_wait3A_237 = tpu.memref_squeeze %dma_wait3A_236 : memref<1x208xi32, #tpu.memory_space<hbm>> -> memref<208xi32, #tpu.memory_space<hbm>>
    %dma_wait3A_238 = arith.constant 0 : i32
    %dma_wait3A_239 = tpu.memref_slice %arg6[%add3A_150, %dma_wait3A_238] : memref<128x208xi32, #tpu.memory_space<hbm>> -> memref<1x208xi32, #tpu.memory_space<hbm>>
    %dma_wait3A_240 = tpu.memref_squeeze %dma_wait3A_239 : memref<1x208xi32, #tpu.memory_space<hbm>> -> memref<208xi32, #tpu.memory_space<hbm>>
    tpu.wait_dma2 semaphore(%arg38 : memref<!tpu.dma_semaphore, #tpu.memory_space<semaphore_mem>>) src(%arg31 : memref<208xi32, #tpu.memory_space<vmem>>) dst(%dma_wait3A_240 : memref<208xi32, #tpu.memory_space<hbm>>)
    %dma_wait3A_241 = arith.constant 0 : i32
    %dma_wait3A_242 = tpu.memref_slice %arg6[%add3A_158, %dma_wait3A_241] : memref<128x208xi32, #tpu.memory_space<hbm>> -> memref<1x208xi32, #tpu.memory_space<hbm>>
    %dma_wait3A_243 = tpu.memref_squeeze %dma_wait3A_242 : memref<1x208xi32, #tpu.memory_space<hbm>> -> memref<208xi32, #tpu.memory_space<hbm>>
    %dma_wait3A_244 = arith.constant 0 : i32
    %dma_wait3A_245 = tpu.memref_slice %arg6[%add3A_158, %dma_wait3A_244] : memref<128x208xi32, #tpu.memory_space<hbm>> -> memref<1x208xi32, #tpu.memory_space<hbm>>
    %dma_wait3A_246 = tpu.memref_squeeze %dma_wait3A_245 : memref<1x208xi32, #tpu.memory_space<hbm>> -> memref<208xi32, #tpu.memory_space<hbm>>
    tpu.wait_dma2 semaphore(%arg38 : memref<!tpu.dma_semaphore, #tpu.memory_space<semaphore_mem>>) src(%arg32 : memref<208xi32, #tpu.memory_space<vmem>>) dst(%dma_wait3A_246 : memref<208xi32, #tpu.memory_space<hbm>>)
    %dma_wait3A_247 = arith.constant 0 : i32
    %dma_wait3A_248 = tpu.memref_slice %arg6[%add3A_166, %dma_wait3A_247] : memref<128x208xi32, #tpu.memory_space<hbm>> -> memref<1x208xi32, #tpu.memory_space<hbm>>
    %dma_wait3A_249 = tpu.memref_squeeze %dma_wait3A_248 : memref<1x208xi32, #tpu.memory_space<hbm>> -> memref<208xi32, #tpu.memory_space<hbm>>
    %dma_wait3A_250 = arith.constant 0 : i32
    %dma_wait3A_251 = tpu.memref_slice %arg6[%add3A_166, %dma_wait3A_250] : memref<128x208xi32, #tpu.memory_space<hbm>> -> memref<1x208xi32, #tpu.memory_space<hbm>>
    %dma_wait3A_252 = tpu.memref_squeeze %dma_wait3A_251 : memref<1x208xi32, #tpu.memory_space<hbm>> -> memref<208xi32, #tpu.memory_space<hbm>>
    tpu.wait_dma2 semaphore(%arg38 : memref<!tpu.dma_semaphore, #tpu.memory_space<semaphore_mem>>) src(%arg33 : memref<208xi32, #tpu.memory_space<vmem>>) dst(%dma_wait3A_252 : memref<208xi32, #tpu.memory_space<hbm>>)
    %dma_wait3A_253 = arith.constant 0 : i32
    %dma_wait3A_254 = tpu.memref_slice %arg7[%add3A_174, %dma_wait3A_253] : memref<128x1024xf32, #tpu.memory_space<hbm>> -> memref<1x1024xf32, #tpu.memory_space<hbm>>
    %dma_wait3A_255 = tpu.memref_squeeze %dma_wait3A_254 : memref<1x1024xf32, #tpu.memory_space<hbm>> -> memref<1024xf32, #tpu.memory_space<hbm>>
    %dma_wait3A_256 = arith.constant 0 : i32
    %dma_wait3A_257 = tpu.memref_slice %arg7[%add3A_174, %dma_wait3A_256] : memref<128x1024xf32, #tpu.memory_space<hbm>> -> memref<1x1024xf32, #tpu.memory_space<hbm>>
    %dma_wait3A_258 = tpu.memref_squeeze %dma_wait3A_257 : memref<1x1024xf32, #tpu.memory_space<hbm>> -> memref<1024xf32, #tpu.memory_space<hbm>>
    tpu.wait_dma2 semaphore(%arg38 : memref<!tpu.dma_semaphore, #tpu.memory_space<semaphore_mem>>) src(%arg26 : memref<1024xf32, #tpu.memory_space<vmem>>) dst(%dma_wait3A_258 : memref<1024xf32, #tpu.memory_space<hbm>>)
    %dma_wait3A_259 = arith.constant 0 : i32
    %dma_wait3A_260 = tpu.memref_slice %arg7[%add3A_182, %dma_wait3A_259] : memref<128x1024xf32, #tpu.memory_space<hbm>> -> memref<1x1024xf32, #tpu.memory_space<hbm>>
    %dma_wait3A_261 = tpu.memref_squeeze %dma_wait3A_260 : memref<1x1024xf32, #tpu.memory_space<hbm>> -> memref<1024xf32, #tpu.memory_space<hbm>>
    %dma_wait3A_262 = arith.constant 0 : i32
    %dma_wait3A_263 = tpu.memref_slice %arg7[%add3A_182, %dma_wait3A_262] : memref<128x1024xf32, #tpu.memory_space<hbm>> -> memref<1x1024xf32, #tpu.memory_space<hbm>>
    %dma_wait3A_264 = tpu.memref_squeeze %dma_wait3A_263 : memref<1x1024xf32, #tpu.memory_space<hbm>> -> memref<1024xf32, #tpu.memory_space<hbm>>
    tpu.wait_dma2 semaphore(%arg38 : memref<!tpu.dma_semaphore, #tpu.memory_space<semaphore_mem>>) src(%arg27 : memref<1024xf32, #tpu.memory_space<vmem>>) dst(%dma_wait3A_264 : memref<1024xf32, #tpu.memory_space<hbm>>)
    %dma_wait3A_265 = arith.constant 0 : i32
    %dma_wait3A_266 = tpu.memref_slice %arg7[%add3A_190, %dma_wait3A_265] : memref<128x1024xf32, #tpu.memory_space<hbm>> -> memref<1x1024xf32, #tpu.memory_space<hbm>>
    %dma_wait3A_267 = tpu.memref_squeeze %dma_wait3A_266 : memref<1x1024xf32, #tpu.memory_space<hbm>> -> memref<1024xf32, #tpu.memory_space<hbm>>
    %dma_wait3A_268 = arith.constant 0 : i32
    %dma_wait3A_269 = tpu.memref_slice %arg7[%add3A_190, %dma_wait3A_268] : memref<128x1024xf32, #tpu.memory_space<hbm>> -> memref<1x1024xf32, #tpu.memory_space<hbm>>
    %dma_wait3A_270 = tpu.memref_squeeze %dma_wait3A_269 : memref<1x1024xf32, #tpu.memory_space<hbm>> -> memref<1024xf32, #tpu.memory_space<hbm>>
    tpu.wait_dma2 semaphore(%arg38 : memref<!tpu.dma_semaphore, #tpu.memory_space<semaphore_mem>>) src(%arg28 : memref<1024xf32, #tpu.memory_space<vmem>>) dst(%dma_wait3A_270 : memref<1024xf32, #tpu.memory_space<hbm>>)
    %dma_wait3A_271 = arith.constant 0 : i32
    %dma_wait3A_272 = tpu.memref_slice %arg7[%add3A_198, %dma_wait3A_271] : memref<128x1024xf32, #tpu.memory_space<hbm>> -> memref<1x1024xf32, #tpu.memory_space<hbm>>
    %dma_wait3A_273 = tpu.memref_squeeze %dma_wait3A_272 : memref<1x1024xf32, #tpu.memory_space<hbm>> -> memref<1024xf32, #tpu.memory_space<hbm>>
    %dma_wait3A_274 = arith.constant 0 : i32
    %dma_wait3A_275 = tpu.memref_slice %arg7[%add3A_198, %dma_wait3A_274] : memref<128x1024xf32, #tpu.memory_space<hbm>> -> memref<1x1024xf32, #tpu.memory_space<hbm>>
    %dma_wait3A_276 = tpu.memref_squeeze %dma_wait3A_275 : memref<1x1024xf32, #tpu.memory_space<hbm>> -> memref<1024xf32, #tpu.memory_space<hbm>>
    tpu.wait_dma2 semaphore(%arg38 : memref<!tpu.dma_semaphore, #tpu.memory_space<semaphore_mem>>) src(%arg29 : memref<1024xf32, #tpu.memory_space<vmem>>) dst(%dma_wait3A_276 : memref<1024xf32, #tpu.memory_space<hbm>>)
    return
  }
}

module attributes {stable_mosaic.version = 14 : i64} {
  func.func @_vocab_body(%arg0: memref<1024x1xf32, #tpu.memory_space<vmem>>, %arg1: memref<1024x1xi32, #tpu.memory_space<vmem>>) attributes {dimension_semantics = [], scalar_prefetch = 0 : i64, scratch_operands = 0 : i64, tpu.core_type = #tpu.core_type<tc>} {
    %get3A = arith.constant 0 : index
    %get3A_0 = arith.constant 0 : index
    %get3A_1 = vector.load %arg0[%get3A, %get3A_0] : memref<1024x1xf32, #tpu.memory_space<vmem>>, vector<1024x1xf32>
    %bitcast_convert_type3A = tpu.bitcast %get3A_1 : vector<1024x1xf32> -> vector<1024x1xi32>
    %transpose3A = tpu.transpose %bitcast_convert_type3A, [1, 0] : vector<1024x1xi32> -> vector<1x1024xi32>
    %gt3A = vector.broadcast %bitcast_convert_type3A : vector<1024x1xi32> to vector<1024x1024xi32>
    %gt3A_2 = vector.broadcast %transpose3A : vector<1x1024xi32> to vector<1024x1024xi32>
    %gt3A_3 = arith.cmpi sgt, %gt3A, %gt3A_2 : vector<1024x1024xi32>
    %iota3A = tpu.iota {dimensions = array<i32: 1>} : vector<1024x1024xi32>
    %lt3A = arith.constant 1000 : i32
    %lt3A_4 = vector.broadcast %lt3A : i32 to vector<1024x1024xi32>
    %lt3A_5 = arith.cmpi slt, %iota3A, %lt3A_4 : vector<1024x1024xi32>
    %and3A = arith.andi %gt3A_3, %lt3A_5 : vector<1024x1024xi1>
    %jit3A = arith.constant 1 : i32
    %jit3A_6 = arith.constant 0 : i32
    %broadcast_in_dim3A = vector.broadcast %jit3A : i32 to vector<1024x1024xi32>
    %broadcast_in_dim3A_7 = vector.broadcast %jit3A_6 : i32 to vector<1024x1024xi32>
    %select_n3A = arith.select %and3A, %broadcast_in_dim3A, %broadcast_in_dim3A_7 : vector<1024x1024xi1>, vector<1024x1024xi32>
    %reduce_sum3A = arith.constant dense<0> : vector<1024xi32>
    %reduce_sum3A_8 = vector.multi_reduction <add>, %select_n3A, %reduce_sum3A [1] : vector<1024x1024xi32> to vector<1024xi32>
    %broadcast_in_dim3A_9 = vector.shape_cast %reduce_sum3A_8 : vector<1024xi32> to vector<1024x1xi32>
    %sub3A = arith.constant 999 : i32
    %sub3A_10 = vector.broadcast %sub3A : i32 to vector<1024x1xi32>
    %sub3A_11 = arith.subi %sub3A_10, %broadcast_in_dim3A_9 : vector<1024x1xi32>
    %swap3A = arith.constant 0 : index
    %swap3A_12 = arith.constant 0 : index
    %swap3A_13 = vector.load %arg1[%swap3A, %swap3A_12] : memref<1024x1xi32, #tpu.memory_space<vmem>>, vector<1024x1xi32>
    tpu.vector_store %arg1[%swap3A, %swap3A_12], %sub3A_11 {strides = array<i32>} : memref<1024x1xi32, #tpu.memory_space<vmem>>, vector<1024x1xi32>,
    return
  }
}

module attributes {stable_mosaic.version = 14 : i64} {
  func.func @_head_body(%arg0: memref<128x1024xf32, #tpu.memory_space<vmem>>, %arg1: memref<1000x512xf32, #tpu.memory_space<vmem>>, %arg2: memref<512x256xf32, #tpu.memory_space<vmem>>, %arg3: memref<1x256xf32, #tpu.memory_space<vmem>>, %arg4: memref<256x512xf32, #tpu.memory_space<vmem>>, %arg5: memref<1x512xf32, #tpu.memory_space<vmem>>, %arg6: memref<512x256xf32, #tpu.memory_space<vmem>>, %arg7: memref<1x256xf32, #tpu.memory_space<vmem>>, %arg8: memref<1x256xf32, #tpu.memory_space<vmem>>, %arg9: memref<1x1xf32, #tpu.memory_space<vmem>>, %arg10: memref<128x1xf32, #tpu.memory_space<vmem>>) attributes {dimension_semantics = [], scalar_prefetch = 0 : i64, scratch_operands = 0 : i64, tpu.core_type = #tpu.core_type<tc>} {
    %get3A = arith.constant 0 : index
    %get3A_0 = arith.constant 0 : index
    %get3A_1 = vector.load %arg1[%get3A, %get3A_0] : memref<1000x512xf32, #tpu.memory_space<vmem>>, vector<1000x512xf32>
    %get3A_2 = arith.constant 0 : index
    %get3A_3 = arith.constant 0 : index
    %get3A_4 = vector.load %arg2[%get3A_2, %get3A_3] : memref<512x256xf32, #tpu.memory_space<vmem>>, vector<512x256xf32>
    %dot_general3A = arith.constant dense<0.000000e+00> : vector<1000x256xf32>
    %dot_general3A_5 = tpu.matmul %get3A_1, %get3A_4, %dot_general3A {dimension_numbers = #tpu.dot_dimension_numbers<[1], [0], [0], [1], [0, 0, 1, 1], [], []>, precision = #tpu.contract_precision<fp32>, transpose_lhs_hint = false} : vector<1000x512xf32>, vector<512x256xf32>, vector<1000x256xf32> -> vector<1000x256xf32>
    %get3A_6 = arith.constant 0 : index
    %get3A_7 = arith.constant 0 : index
    %get3A_8 = vector.load %arg3[%get3A_6, %get3A_7] : memref<1x256xf32, #tpu.memory_space<vmem>>, vector<1x256xf32>
    %add3A = vector.broadcast %get3A_8 : vector<1x256xf32> to vector<1000x256xf32>
    %add3A_9 = arith.addf %dot_general3A_5, %add3A : vector<1000x256xf32>
    %max3A = arith.constant 0.000000e+00 : f32
    %max3A_10 = vector.broadcast %max3A : f32 to vector<1000x256xf32>
    %max3A_11 = arith.maximumf %add3A_9, %max3A_10 : vector<1000x256xf32>
    %get3A_12 = arith.constant 0 : index
    %get3A_13 = arith.constant 0 : index
    %get3A_14 = vector.load %arg4[%get3A_12, %get3A_13] : memref<256x512xf32, #tpu.memory_space<vmem>>, vector<256x512xf32>
    %dot_general3A_15 = arith.constant dense<0.000000e+00> : vector<1000x512xf32>
    %dot_general3A_16 = tpu.matmul %max3A_11, %get3A_14, %dot_general3A_15 {dimension_numbers = #tpu.dot_dimension_numbers<[1], [0], [0], [1], [0, 0, 1, 1], [], []>, precision = #tpu.contract_precision<fp32>, transpose_lhs_hint = false} : vector<1000x256xf32>, vector<256x512xf32>, vector<1000x512xf32> -> vector<1000x512xf32>
    %get3A_17 = arith.constant 0 : index
    %get3A_18 = arith.constant 0 : index
    %get3A_19 = vector.load %arg5[%get3A_17, %get3A_18] : memref<1x512xf32, #tpu.memory_space<vmem>>, vector<1x512xf32>
    %add3A_20 = vector.broadcast %get3A_19 : vector<1x512xf32> to vector<1000x512xf32>
    %add3A_21 = arith.addf %dot_general3A_16, %add3A_20 : vector<1000x512xf32>
    %get3A_22 = arith.constant 0 : index
    %get3A_23 = arith.constant 0 : index
    %get3A_24 = vector.load %arg0[%get3A_22, %get3A_23] : memref<128x1024xf32, #tpu.memory_space<vmem>>, vector<128x1024xf32>
    %slice3A = vector.extract_strided_slice %get3A_24 {offsets = [0, 0], sizes = [128, 1000], strides = [1, 1]} : vector<128x1024xf32> to vector<128x1000xf32>
    %dot_general3A_25 = arith.constant dense<0.000000e+00> : vector<128x512xf32>
    %dot_general3A_26 = tpu.matmul %slice3A, %add3A_21, %dot_general3A_25 {dimension_numbers = #tpu.dot_dimension_numbers<[1], [0], [0], [1], [0, 0, 1, 1], [], []>, precision = #tpu.contract_precision<fp32>, transpose_lhs_hint = false} : vector<128x1000xf32>, vector<1000x512xf32>, vector<128x512xf32> -> vector<128x512xf32>
    %mul3A = arith.constant 0.00490196096 : f32
    %mul3A_27 = vector.broadcast %mul3A : f32 to vector<128x512xf32>
    %mul3A_28 = arith.mulf %dot_general3A_26, %mul3A_27 : vector<128x512xf32>
    %get3A_29 = arith.constant 0 : index
    %get3A_30 = arith.constant 0 : index
    %get3A_31 = vector.load %arg6[%get3A_29, %get3A_30] : memref<512x256xf32, #tpu.memory_space<vmem>>, vector<512x256xf32>
    %dot_general3A_32 = arith.constant dense<0.000000e+00> : vector<128x256xf32>
    %dot_general3A_33 = tpu.matmul %mul3A_28, %get3A_31, %dot_general3A_32 {dimension_numbers = #tpu.dot_dimension_numbers<[1], [0], [0], [1], [0, 0, 1, 1], [], []>, precision = #tpu.contract_precision<fp32>, transpose_lhs_hint = false} : vector<128x512xf32>, vector<512x256xf32>, vector<128x256xf32> -> vector<128x256xf32>
    %get3A_34 = arith.constant 0 : index
    %get3A_35 = arith.constant 0 : index
    %get3A_36 = vector.load %arg7[%get3A_34, %get3A_35] : memref<1x256xf32, #tpu.memory_space<vmem>>, vector<1x256xf32>
    %add3A_37 = vector.broadcast %get3A_36 : vector<1x256xf32> to vector<128x256xf32>
    %add3A_38 = arith.addf %dot_general3A_33, %add3A_37 : vector<128x256xf32>
    %max3A_39 = arith.constant 0.000000e+00 : f32
    %max3A_40 = vector.broadcast %max3A_39 : f32 to vector<128x256xf32>
    %max3A_41 = arith.maximumf %add3A_38, %max3A_40 : vector<128x256xf32>
    %get3A_42 = arith.constant 0 : index
    %get3A_43 = arith.constant 0 : index
    %get3A_44 = vector.load %arg8[%get3A_42, %get3A_43] : memref<1x256xf32, #tpu.memory_space<vmem>>, vector<1x256xf32>
    %mul3A_45 = vector.broadcast %get3A_44 : vector<1x256xf32> to vector<128x256xf32>
    %mul3A_46 = arith.mulf %max3A_41, %mul3A_45 : vector<128x256xf32>
    %reduce_sum3A = arith.constant dense<0.000000e+00> : vector<128xf32>
    %reduce_sum3A_47 = vector.multi_reduction <add>, %mul3A_46, %reduce_sum3A [1] : vector<128x256xf32> to vector<128xf32>
    %broadcast_in_dim3A = vector.shape_cast %reduce_sum3A_47 : vector<128xf32> to vector<128x1xf32>
    %get3A_48 = arith.constant 0 : index
    %get3A_49 = arith.constant 0 : index
    %get3A_50 = vector.load %arg9[%get3A_48, %get3A_49] : memref<1x1xf32, #tpu.memory_space<vmem>>, vector<1x1xf32>
    %add3A_51 = vector.broadcast %get3A_50 : vector<1x1xf32> to vector<128x1xf32>
    %add3A_52 = arith.addf %broadcast_in_dim3A, %add3A_51 : vector<128x1xf32>
    %logistic3A = arith.negf %add3A_52 : vector<128x1xf32>
    %logistic3A_53 = math.exp %logistic3A : vector<128x1xf32>
    %logistic3A_54 = arith.constant 1.000000e+00 : f32
    %logistic3A_55 = vector.broadcast %logistic3A_54 : f32 to vector<128x1xf32>
    %logistic3A_56 = arith.addf %logistic3A_55, %logistic3A_53 : vector<128x1xf32>
    %logistic3A_57 = arith.divf %logistic3A_55, %logistic3A_56 : vector<128x1xf32>
    %swap3A = arith.constant 0 : index
    %swap3A_58 = arith.constant 0 : index
    %swap3A_59 = vector.load %arg10[%swap3A, %swap3A_58] : memref<128x1xf32, #tpu.memory_space<vmem>>, vector<128x1xf32>
    tpu.vector_store %arg10[%swap3A, %swap3A_58], %logistic3A_57 {strides = array<i32>} : memref<128x1xf32, #tpu.memory_space<vmem>>, vector<128x1xf32>,
    return
  }
}

</mosaic_0001>

<sc_bundles>
// kernel: kernel.5.cloned.1.call-start
scs
__scs_entry_jumppad:
0x0: {  	(pc) =	sbr.rel $0x88, $3  }
0x1: {  	(tag) =	ssettag $0x0;
	lr =	simm.s32 $0x1  }
0x2: {  	[smem:$0x3F91] =	sst lr;
	_ =	strace $0xD0000000  }
0x3: {  	_ = 	snop  }
0x4: {  	_ = 	snop  }
0x5: {  	_ = 	snop  }
0x6: {  	_ = 	snop  }
0x7: {  	_ = 	snop  }
__scs_overlays_trampoline_lowered:
0x8: {  	[smem:$0x3FA0] =	sst s0  }
0x9: {  	[smem:$0x3FA1] =	sst s1  }
0xa: {  	[smem:$0x3FA2] =	sst s2  }
0xb: {  	[smem:$0x3FA3] =	sst s3  }
0xc: {  	[smem:$0x3FA4] =	sst s4  }
0xd: {  	[smem:$0x3FA5] =	sst s5  }
0xe: {  	[smem:$0x3FA6] =	sst s6  }
0xf: {  	[smem:$0x3FA7] =	sst s7  }
0x10: {  	[smem:$0x3FA8] =	sst s8  }
0x11: {  	[smem:$0x3FA9] =	sst s9;
	s0 =	simm.s32 @!p0 $0x0  }
0x12: {  	s1 =	sld [smem:$0x3F8F];
	s0 =	simm.s32 @p0 $0x1  }
0x13: {  	[smem:$0x3FAA] =	sst s0;
	s0 =	simm.s32 @!p1 $0x0  }
0x14: {  	s2 =	sld [smem:$0x3F8E];
	s0 =	simm.s32 @p1 $0x1  }
0x15: {  	[smem:$0x3FAB] =	sst s0;
	s0 =	simm.s32 @!p2 $0x0  }
0x16: {  	s3 =	sld [smem:$0x3FDB];
	s0 =	simm.s32 @p2 $0x1  }
0x17: {  	s4 =	simm.s32 $0x1BF5;
	[smem:$0x3FAD] =	sst s0  }
0x18: {  	s0 =	sld [smem:$0x3F90];
	_ =	swait.ge [sflag:s4], $0x0  }
0x19: {  	s7 =	sld [smem:$0x3F91]  }
0x1a: {  	s8 =	sadd.s32 $0xFFFFE003, lr  }
0x1b: {  	s9 =	sadd.s32 $0xFFFFFEF7, lr;
	s5 =	simm.s32 $0xFFFFFFFF;
	p2 =	slt.u32 s8, $0xFFFFF086  }
0x1c: {  	p1 =	slt.u32 s9, $0xF7A;
	s5 =	simm.s32 @!p2 $0x0  }
0x1d: {  	s5 =	simm.s32 @p1 $0x1;
	p0 =	seq.s32 s7, s2  }
0x1e: {  	s7 =	smul.u32 @!p0 $0xF7A, s2;
	p2 =	seq.s32 @!p0 s5, $0x0  }
0x1f: {  	s9 =	smul.u32 $0xF7A, s1;
	s8 =	simm.s32 @!p0 $0x1BF5;
	p2 =	por !p2, p0  }
0x20: {  	[sflag:s8] =	ssyncset.s32 @!p0 $0xFFFFF086;
	s6 =	sadd.s32 @!p0 s3, s7;
	s7 =	simm.s32 @!p0 $0x108  }
0x21: {  	s3 =	sadd.s32 s3, s9;
	s6 =	sadd.s32 @!p0 $0x88, s6;
	s7 =	simm.s32 @p2 $0x1082  }
0x22: {  	[simem:s7], [sflag:s8] =	dma.local @!p0 [hbm:s6], $0xF7A  }
0x23: {  	s9 =	sor.u32 $0xD0000000, s2;
	s6 =	simm.s32 $0x108;
	_ =	swait.ge @!p0 [sflag:s8], $0x0  }
0x24: {  	s3 =	sadd.s32 $0x88, s3;
	s6 =	simm.s32 @!p1 $0x1082;
	[sflag:s4] =	ssyncset.s32 $0xFFFFF086  }
0x25: {  	[simem:s6], [sflag:s4] =	dma.local [hbm:s3], $0xF7A  }
0x26: {  	[smem:$0x3F91] =	sst s1;
	(tag) =	ssettag s2;
	_ =	strace s9  }
0x27: {  	s1 =	sld [smem:$0x3FA1]  }
0x28: {  	s2 =	sld [smem:$0x3FA2]  }
0x29: {  	s4 =	sld [smem:$0x3FA4]  }
0x2a: {  	p0 =	seq.s32 s5, $0x0;
	s5 =	sld [smem:$0x3FA5]  }
0x2b: {  	s6 =	sld [smem:$0x3FA6]  }
0x2c: {  	s7 =	sld [smem:$0x3FA7]  }
0x2d: {  	s3 =	simm.s32 $0x108;
	s8 =	sld [smem:$0x3FA8]  }
0x2e: {  	s3 =	simm.s32 @!p0 $0x1082;
	s9 =	sld [smem:$0x3FA9]  }
0x2f: {  	lr =	sadd.s32 s0, s3;
	s0 =	sld [smem:$0x3FA0]  }
0x30: {  	s3 =	sld [smem:$0x3FA3]  }
0x31: {  	[smem:$0x3FAC] =	sst s10  }
0x32: {  	s10 =	sld [smem:$0x3FAA];
	_ =	sdelay $0x3  }
0x33: {  	p0 =	seq.s32 s10, $0x1;
	s10 =	sld [smem:$0x3FAC];
	_ =	sdelay $0x3  }
0x34: {  	[smem:$0x3FAC] =	sst s10  }
0x35: {  	s10 =	sld [smem:$0x3FAB];
	_ =	sdelay $0x3  }
0x36: {  	p1 =	seq.s32 s10, $0x1;
	s10 =	sld [smem:$0x3FAC];
	_ =	sdelay $0x3  }
0x37: {  	[smem:$0x3FAC] =	sst s10  }
0x38: {  	s10 =	sld [smem:$0x3FAD]  }
0x39: {  	_ = 	snop;
	(pc) =	sbr.ind lr, $3  }
0x3a: {  	_ = 	snop  }
0x3b: {  	_ = 	snop  }
0x3c: {  	p2 =	seq.s32 s10, $0x1;
	s10 =	sld [smem:$0x3FAC]  }
0x3d: {  	_ =	shalt  }
0x3e: {  	_ =	shalt  }
0x3f: {  	_ =	shalt  }
0x40: {  	_ =	shalt  }
0x41: {  	_ =	shalt  }
0x42: {  	_ =	shalt  }
0x43: {  	_ =	shalt  }
0x44: {  	_ =	shalt  }
0x45: {  	_ =	shalt  }
0x46: {  	_ =	shalt  }
0x47: {  	_ =	shalt  }
0x48: {  	_ =	shalt  }
0x49: {  	_ =	shalt  }
0x4a: {  	_ =	shalt  }
0x4b: {  	_ =	shalt  }
0x4c: {  	_ =	shalt  }
0x4d: {  	_ =	shalt  }
0x4e: {  	_ =	shalt  }
0x4f: {  	_ =	shalt  }
0x50: {  	_ =	shalt  }
0x51: {  	_ =	shalt  }
0x52: {  	_ =	shalt  }
0x53: {  	_ =	shalt  }
0x54: {  	_ =	shalt  }
0x55: {  	_ =	shalt  }
0x56: {  	_ =	shalt  }
0x57: {  	_ =	shalt  }
0x58: {  	_ =	shalt  }
0x59: {  	_ =	shalt  }
0x5a: {  	_ =	shalt  }
0x5b: {  	_ =	shalt  }
0x5c: {  	_ =	shalt  }
0x5d: {  	_ =	shalt  }
0x5e: {  	_ =	shalt  }
0x5f: {  	_ =	shalt  }
0x60: {  	_ =	shalt  }
0x61: {  	_ =	shalt  }
0x62: {  	_ =	shalt  }
0x63: {  	_ =	shalt  }
0x64: {  	_ =	shalt  }
0x65: {  	_ =	shalt  }
0x66: {  	_ =	shalt  }
0x67: {  	_ =	shalt  }
0x68: {  	_ =	shalt  }
0x69: {  	_ =	shalt  }
0x6a: {  	_ =	shalt  }
0x6b: {  	_ =	shalt  }
0x6c: {  	_ =	shalt  }
0x6d: {  	_ =	shalt  }
0x6e: {  	_ =	shalt  }
0x6f: {  	_ =	shalt  }
0x70: {  	_ =	shalt  }
0x71: {  	_ =	shalt  }
0x72: {  	_ =	shalt  }
0x73: {  	_ =	shalt  }
0x74: {  	_ =	shalt  }
0x75: {  	_ =	shalt  }
0x76: {  	_ =	shalt  }
0x77: {  	_ =	shalt  }
0x78: {  	_ =	shalt  }
0x79: {  	_ =	shalt  }
0x7a: {  	_ =	shalt  }
0x7b: {  	_ =	shalt  }
0x7c: {  	_ =	shalt  }
0x7d: {  	_ =	shalt  }
0x7e: {  	_ =	shalt  }
0x7f: {  	_ =	shalt  }
0x80: {  	_ =	shalt  }
0x81: {  	_ =	shalt  }
0x82: {  	_ =	shalt  }
0x83: {  	_ =	shalt  }
0x84: {  	_ =	shalt  }
0x85: {  	_ =	shalt  }
0x86: {  	_ =	shalt  }
0x87: {  	_ =	shalt  }
.Lfunc_end0:
.L_simem_size_0:
called_computation_lowered:
.L_overlay_start_0:
0x88: {  	s2 =	sld [smem:$0x3FD9]  }
0x89: {  	s3 =	sld [smem:$0x3FFE];
	_ =	sdelay $0x1  }
0x8a: {  	s1 =	srdreg.scid  }
0x8b: {  	s0 =	sand.u32 $0x1, s1  }
0x8c: {  	s14 =	sshll.u32 s0, $0xA;
	s2 =	sadd.s32 s3, s2  }
0x8d: {  	s2 =	sadd.s32 s2, s14  }
0x8e: {  	[smem:$0x3FB8] =	sst s2  }
0x8f: {  	_ = 	snop  }
0x90: {  	s2 =	sld [smem:$0x3FD0];
	_ =	sdelay $0x2  }
0x91: {  	s4 =	simm.s32 $0xA;
	s5 =	simm.s32 $0x10;
	s15 =	sld [smem:$0x3FC9]  }
0x92: {  	[smem:s5], [sflag:s4] =	dma.local [hbm:s2], $0x1  }
0x93: {  	_ =	swait.eq [sflag:s4], $0x1  }
0x94: {  	[sflag:s4] =	ssyncset.done $0x0  }
0x95: {  	s16 =	sld [smem:$0x11];
	[sflag:s4] =	ssyncadd.s32 $0xFFFFFFFF  }
0x96: {  	s17 =	sld [smem:$0x12];
	(tm) =	ssettm $0x1  }
0x97: {  	s18 =	sld [smem:$0x3FFB];
	_ =	sdelay $0x3  }
0x98: {  	_ =	strace s18  }
0x99: {  	s5 =	sld [smem:$0x3FFC];
	_ =	sdelay $0x3  }
0x9a: {  	_ =	strace s5  }
0x9b: {  	s5 =	sld [smem:$0x3FFD];
	_ =	sdelay $0x3  }
0x9c: {  	_ =	strace s5  }
0x9d: {  	_ =	strace $0x8FFFFFFF  }
0x9e: {  	s19 =	sld [smem:$0x3FDB];
	_ =	sdelay $0x1  }
0x9f: {  	s6 =	simm.s32 $_scs_section_size  }
0xa0: {  	s7 =	simm.s32 $_size__tile_overlayer_lowered;
	s8 =	simm.s32 $_tile_overlayer_lowered  }
0xa1: {  	s22 =	simm.s32 $0x1BFF;
	s21 =	sshll.u32 s8, $0x1;
	s5 =	sadd.s32 s6, s19  }
0xa2: {  	s9 =	simm.s32 $0x0;
	s20 =	sshll.u32 s7, $0x1;
	s7 =	sadd.s32 s21, s5  }
0xa3: {  	[timem:s9], [sflag:s22] =	dma.local [hbm:s7], s20  }
0xa4: {  	_ =	swait.ge [sflag:s22], s20  }
0xa5: {  	s6 =	ssub.s32 $0x0, s20;
	[sflag:s22] =	ssyncset.done $0x0  }
0xa6: {  	[sflag:s22] =	ssyncadd.s32 s6;
	_ =	sdelay $0x1  }
0xa7: {  	s23 =	simm.s32 $0x1B8B  }
0xa8: {  	_ =	swait.ge [sflag:s23], $0x1  }
0xa9: {  	[sflag:s23] =	ssyncset.done $0x0  }
0xaa: {  	s25 =	simm.s32 $0x1B8E;
	s24 =	sld [smem:$0x3FFE];
	[sflag:s23] =	ssyncadd.s32 $0xFFFFFFFF  }
0xab: {  	s26 =	simm.s32 $execute0_lowered;
	[smem:$0x3FD2] =	sst s25  }
0xac: {  	s7 =	sshll.u32 s26, $0x1;
	_ =	strace $0x80000046;
	[dreg:$0x1] =	wrdreg $0xFFFFFFFF  }
0xad: {  	s28 =	simm.s32 $_size_execute0_lowered;
	s5 =	sadd.s32 s5, s7;
	[dreg:$0x0] =	wrdreg $0x0  }
0xae: {  	s7 =	sshll.u32 s28, $0x1;
	[dreg:$0x2] =	wrdreg s5  }
0xaf: {  	[dreg:$0x3] =	wrdreg s7  }
0xb0: {  	[dreg:$0x4] =	wrdreg $0xC0  }
0xb1: {  	_ =	task [dreg:s9], $0x5FFFF  }
0xb2: {  	[dreg:$0x1] =	wrdreg $0xFFFFFFFF  }
0xb3: {  	[dreg:$0x0] =	wrdreg $0x60  }
0xb4: {  	[dreg:$0x2] =	wrdreg s15  }
0xb5: {  	[dreg:$0x3] =	wrdreg s24  }
0xb6: {  	[dreg:$0x4] =	wrdreg s16  }
0xb7: {  	[dreg:$0x5] =	wrdreg s17  }
0xb8: {  	[dreg:$0x6] =	wrdreg $0x9  }
0xb9: {  	_ =	task.clear_ibuf [dreg:s9], $0x7FFFF;
	_ =	strace $0x90000046  }
0xba: {  	s29 =	simm.s32 $0x9;
	_ =	strace $0x80000048  }
0xbb: {  	_ =	swait.ge [sflag:s29], $0x1  }
0xbc: {  	[sflag:s29] =	ssyncadd.s32 $0xFFFFFFFF  }
0xbd: {  	_ =	strace $0x90000048  }
0xbe: {  	_ =	sfence  }
0xbf: {  	s30 =	sld [smem:$0x0];
	_ =	sdelay $0x2  }
0xc0: {  	s31 =	sshll.u32 s1, $0xD;
	s1 =	sshrl.u32 s1, $0x2  }
0xc1: {  	s3 =	sand.u32 $0x4000, s31;
	s1 =	sadd.s32 s1, s30  }
0xc2: {  	s0 =	sor.u32 s3, s0;
	s1 =	sshll.u32 s1, $0x11  }
0xc3: {  	s0 =	sor.u32 s1, s0  }
0xc4: {  	s0 =	sadd.s32 $0x8F2B, s0  }
0xc5: {  	[sflag:s0] =	ssyncadd.remote.s32 $0x1  }
0xc6: {  	_ =	sfence.sel $0xFFFF  }
0xc7: {  	[dreg:$0x0] =	wrdreg $0xFFFFFFFF;
	(pc) =	sbr.abs _section_cstart, $3  }
0xc8: {  	[dreg:$0x1] =	wrdreg $0xFFFFFFFF  }
0xc9: {  	_ =	task.clear_ibuf [dreg:s9], $0x2FFFF;
	_ =	strace $0x9FFFFFFF  }
0xca: {  	(tm) =	ssettm $0x7FFFFFFF  }
0xcb: {  	_ =	shalt  }
tec
execute0_lowered:
.L_overlay_start_1:
0x0: {  	(tag) =	ssettag $0x1  }
0x1: {  	s0 =	rddreg [dreg:$0x0]  }
0x2: {  	s1 =	rddreg [dreg:$0x1]  }
0x3: {  	s2 =	rddreg [dreg:$0x3];
	s3 =	simm.s32 $0x0;
	s4 =	srdreg.scid  }
0x4: {  	s14 =	stileid.u32;
	[smem:$0x7FF] =	sst s3;
	s4 =	sand.u32 $0x1, s4  }
0x5: {  	s6 =	sshll.u32 s14, $0xE;
	s7 =	sadd.s32 $0x1000, s1;
	s8 =	sadd.s32 $0x1200, s1  }
0x6: {  	s1 =	sadd.s32 $0x2200, s1;
	s16 =	sshll.u32 s14, $0xB;
	s23 =	sshll.u32 s14, $0xD  }
0x7: {  	_ =	strace $0x80000047;
	s5 =	sshll.u32 s4, $0x9;
	s4 =	ssub.s32 $0x2, s4  }
0x8: {  	[dreg:$0x5] =	wrdreg s7;
	s28 =	sor.u32 s5, s6;
	s9 =	sshrl.u32 s4, $0x1  }
0x9: {  	s30 =	sor.u32 $0x80, s5;
	s10 =	sor.u32 $0x100, s5;
	s11 =	sor.u32 $0x180, s5  }
0xa: {  	s18 =	sor.u32 s5, s16;
	s5 =	sor.u32 s5, s23;
	s7 =	sshrl.u32 s28, $0x3  }
0xb: {  	s4 =	ssub.s32 s4, s9;
	s12 =	sor.u32 s6, s30;
	s13 =	sor.u32 s6, s10  }
0xc: {  	s6 =	sor.u32 s6, s11;
	s19 =	sor.u32 s16, s30;
	s20 =	sshrl.u32 s18, $0x3  }
0xd: {  	s24 =	sor.u32 s16, s10;
	s5 =	sshrl.u32 s5, $0x3;
	s29 =	sadd.s32 s0, s7  }
0xe: {  	s26 =	sor.u32 s23, s30;
	s7 =	sadd.s32 s2, s7;
	[dreg:$0x6] =	wrdreg s29  }
0xf: {  	s12 =	sshrl.u32 s12, $0x3;
	s25 =	sadd.s32 s1, s5;
	[dreg:$0xa] =	wrdreg s7  }
0x10: {  	s13 =	sshrl.u32 s13, $0x3;
	s15 =	sadd.s32 s0, s12;
	[dreg:$0x12] =	wrdreg s25  }
0x11: {  	s6 =	sshrl.u32 s6, $0x3;
	s31 =	sadd.s32 s0, s13;
	[dreg:$0x7] =	wrdreg s15  }
0x12: {  	s28 =	sor.u32 s23, s10;
	s0 =	sadd.s32 s0, s6;
	[dreg:$0x8] =	wrdreg s31  }
0x13: {  	s21 =	sshrl.u32 s19, $0x3;
	s17 =	sadd.s32 s2, s13;
	[dreg:$0x9] =	wrdreg s0  }
0x14: {  	s5 =	sshrl.u32 s28, $0x3;
	s22 =	sadd.s32 s8, s21;
	[dreg:$0xc] =	wrdreg s17  }
0x15: {  	s9 =	simm.s32 $0x80;
	s29 =	sadd.s32 s1, s5;
	[dreg:$0xf] =	wrdreg s22  }
0x16: {  	s10 =	simm.s32 $0x6800;
	s15 =	sadd.s32 s2, s12;
	[dreg:$0x14] =	wrdreg s29  }
0x17: {  	s5 =	simm.s32 $0x1;
	s2 =	sadd.s32 s2, s6;
	[dreg:$0xb] =	wrdreg s15  }
0x18: {  	s0 =	sor.u32 s16, s11;
	s31 =	smax.u32 s4, $0x1;
	[dreg:$0xd] =	wrdreg s2  }
0x19: {  	s6 =	sshrl.u32 s24, $0x3;
	s2 =	sadd.s32 s8, s20;
	[dreg:$0x16] =	wrdreg s31  }
0x1a: {  	s0 =	sshrl.u32 s0, $0x3;
	s6 =	sadd.s32 s8, s6;
	[dreg:$0xe] =	wrdreg s2  }
0x1b: {  	s4 =	simm.s32 $0x0;
	[dreg:$0x10] =	wrdreg s6;
	s0 =	sadd.s32 s8, s0  }
0x1c: {  	v0 =	vimm.s32 $0x40F;
	vm0 =	vcmask $0x3330;
	s2 =	sor.u32 s23, s11;
	[dreg:$0x11] =	wrdreg s0;
	s0 =	sshrl.u32 s26, $0x3  }
0x1d: {  	vm14 =	vcmask $0x3734;
	v1 =	vsel vm0, $0x40C, v0;
	s23 =	simm.s32 $0x400;
	s2 =	sshrl.u32 s2, $0x3;
	s0 =	sadd.s32 s1, s0  }
0x1e: {  	vm15 =	vcmask $0x3B38;
	v2 =	vlaneseq.u32;
	v3 =	vsel vm14, $0x40D, v1;
	s11 =	simm.s32 $0x6C00;
	s30 =	sadd.s32 s1, s2;
	[dreg:$0x13] =	wrdreg s0  }
0x1f: {  	v0 =	vimm.s32 $0x0;
	v1 =	vimm.f32 $0.0e+00;
	v3 =	vsel vm15, $0x40E, v3;
	s2 =	simm.s32 $0x7000;
	s1 =	simm.s32 $0x7400;
	[dreg:$0x15] =	wrdreg s30  }
.LBB2_1:
0x20: {  	[dreg:$0x17] =	wrdreg s4  }
0x21: {  	s0 =	rddreg [dreg:$0x6];
	s17 =	simm.s32 $0x800  }
0x22: {  	[tilespmem:s17], [sflag:$0x1] =	stream.strided.gather [hbm4b:s0+s9], $0x800, s23, s9, $0x38;
	[tilespmem:$0x9000] =	vst v63  }
0x23: {  	s18 =	rddreg [dreg:$0x7];
	s19 =	simm.s32 $0x1000  }
0x24: {  	[tilespmem:s19], [sflag:$0x1] =	stream.strided.gather [hbm4b:s18+s9], $0x800, s23, s9, $0x38;
	[tilespmem:$0x9000] =	vst v63  }
0x25: {  	s20 =	rddreg [dreg:$0x8];
	s21 =	simm.s32 $0x1800  }
0x26: {  	[tilespmem:s21], [sflag:$0x1] =	stream.strided.gather [hbm4b:s20+s9], $0x800, s23, s9, $0x38;
	[tilespmem:$0x9000] =	vst v63  }
0x27: {  	s22 =	rddreg [dreg:$0x9];
	s24 =	simm.s32 $0x2000  }
0x28: {  	[tilespmem:s24], [sflag:$0x1] =	stream.strided.gather [hbm4b:s22+s9], $0x800, s23, s9, $0x38;
	[tilespmem:$0x9000] =	vst v63  }
0x29: {  	s25 =	rddreg [dreg:$0x5];
	s26 =	simm.s32 $0x2  }
0x2a: {  	[tilespmem:s3], [sflag:$0x2] =	stream.linear.gather [hbm4b:s25+s3], $0x400, $0x38;
	[tilespmem:$0x9000] =	vst v63  }
0x2b: {  	_ =	swait.ge [sflag:s26], $0x400  }
0x2c: {  	[sflag:s26] =	ssyncset.done $0x0  }
0x2d: {  	[sflag:s26] =	ssyncadd.s32 $0xFFFFFC00  }
0x2e: {  	s31 =	rddreg [dreg:$0x2]  }
0x2f: {  	[tilespmem:s23], [sflag:$0x2] =	stream.linear.gather [hbm4b:s31+s3], $0x400, $0x38;
	[tilespmem:$0x9000] =	vst v63  }
0x30: {  	_ =	swait.ge [sflag:s26], $0x400  }
0x31: {  	[sflag:s26] =	ssyncset.done $0x0  }
0x32: {  	[sflag:s26] =	ssyncadd.s32 $0xFFFFFC00  }
0x33: {  	_ =	swait.ge [sflag:s5], $0x800  }
0x34: {  	[sflag:s5] =	ssyncset.done $0x0  }
0x35: {  	[sflag:s5] =	ssyncadd.s32 $0xFFFFF800  }
0x36: {  	_ =	swait.ge [sflag:s5], $0x800  }
0x37: {  	[sflag:s5] =	ssyncset.done $0x0  }
0x38: {  	[sflag:s5] =	ssyncadd.s32 $0xFFFFF800  }
0x39: {  	_ =	swait.ge [sflag:s5], $0x800  }
0x3a: {  	[sflag:s5] =	ssyncset.done $0x0  }
0x3b: {  	[sflag:s5] =	ssyncadd.s32 $0xFFFFF800  }
0x3c: {  	_ =	swait.ge [sflag:s5], $0x800  }
0x3d: {  	[sflag:s5] =	ssyncset.done $0x0  }
0x3e: {  	s8 =	simm.s32 $0x6820;
	[sflag:s5] =	ssyncadd.s32 $0xFFFFF800  }
0x3f: {  	[tilespmem:s8+$0xFFFFFFF0] =	vst v0  }
0x40: {  	[tilespmem:s8+$0x0] =	vst v0  }
0x41: {  	[tilespmem:s8+$0x10] =	vst v0  }
0x42: {  	s4 =	simm.s32 $0x7820;
	[tilespmem:s8+$0xFFFFFFE0] =	vst v0  }
0x43: {  	[tilespmem:s4+$0xFFFFFFF0] =	vst v1  }
0x44: {  	[tilespmem:s4+$0x0] =	vst v1  }
0x45: {  	[tilespmem:s4+$0x10] =	vst v1  }
0x46: {  	s5 =	simm.s32 $0x6C20;
	[tilespmem:s4+$0xFFFFFFE0] =	vst v1  }
0x47: {  	[tilespmem:s5+$0xFFFFFFF0] =	vst v0  }
0x48: {  	[tilespmem:s5+$0x0] =	vst v0  }
0x49: {  	[tilespmem:s5+$0x10] =	vst v0  }
0x4a: {  	s6 =	simm.s32 $0x7C20;
	[tilespmem:s5+$0xFFFFFFE0] =	vst v0  }
0x4b: {  	[tilespmem:s6+$0xFFFFFFF0] =	vst v1  }
0x4c: {  	[tilespmem:s6+$0x0] =	vst v1  }
0x4d: {  	[tilespmem:s6+$0x10] =	vst v1  }
0x4e: {  	s7 =	simm.s32 $0x7020;
	[tilespmem:s6+$0xFFFFFFE0] =	vst v1  }
0x4f: {  	[tilespmem:s7+$0xFFFFFFF0] =	vst v0  }
0x50: {  	[tilespmem:s7+$0x0] =	vst v0  }
0x51: {  	[tilespmem:s7+$0x10] =	vst v0  }
0x52: {  	s19 =	simm.s32 $0x8020;
	[tilespmem:s7+$0xFFFFFFE0] =	vst v0  }
0x53: {  	[tilespmem:s19+$0xFFFFFFF0] =	vst v1  }
0x54: {  	[tilespmem:s19+$0x0] =	vst v1  }
0x55: {  	[tilespmem:s19+$0x10] =	vst v1  }
0x56: {  	s20 =	simm.s32 $0x7420;
	[tilespmem:s19+$0xFFFFFFE0] =	vst v1  }
0x57: {  	[tilespmem:s20+$0xFFFFFFF0] =	vst v0  }
0x58: {  	[tilespmem:s20+$0x0] =	vst v0  }
0x59: {  	[tilespmem:s20+$0x10] =	vst v0  }
0x5a: {  	s28 =	simm.s32 $0x810;
	s12 =	simm.s32 $0x2810;
	s22 =	simm.s32 $0x8420;
	[tilespmem:s20+$0xFFFFFFE0] =	vst v0  }
0x5b: {  	s15 =	simm.s32 $0x5010;
	s16 =	simm.s32 $0x4810;
	s29 =	simm.s32 $0x0;
	[tilespmem:s22+$0xFFFFFFF0] =	vst v1  }
0x5c: {  	s13 =	simm.s32 $0x6010;
	s14 =	simm.s32 $0x5810;
	s30 =	simm.s32 $0x6860;
	[tilespmem:s22+$0x0] =	vst v1  }
0x5d: {  	s17 =	simm.s32 $0x4010;
	s18 =	simm.s32 $0x3810;
	s21 =	simm.s32 $0x3010;
	[tilespmem:s22+$0x10] =	vst v1  }
0x5e: {  	s24 =	simm.s32 $0x1810;
	s25 =	simm.s32 $0x1010;
	s26 =	simm.s32 $0x2010;
	[tilespmem:s22+$0xFFFFFFE0] =	vst v1  }
.LBB2_2:
0x5f: {  	[tilespmem:s30+$0xFFFFFFF0] =	vst v0;
	s4 =	sadd.s32 $0x40, s4  }
0x60: {  	s5 =	sadd.s32 $0x40, s5;
	[tilespmem:s4+$0xFFFFFFF0] =	vst v1  }
0x61: {  	s6 =	sadd.s32 $0x40, s6;
	[tilespmem:s5+$0xFFFFFFF0] =	vst v0  }
0x62: {  	s7 =	sadd.s32 $0x40, s7;
	[tilespmem:s6+$0xFFFFFFF0] =	vst v1  }
0x63: {  	s19 =	sadd.s32 $0x40, s19;
	[tilespmem:s7+$0xFFFFFFF0] =	vst v0  }
0x64: {  	s20 =	sadd.s32 $0x40, s20;
	[tilespmem:s19+$0xFFFFFFF0] =	vst v1  }
0x65: {  	s22 =	sadd.s32 $0x40, s22;
	[tilespmem:s20+$0xFFFFFFF0] =	vst v0  }
0x66: {  	[tilespmem:s22+$0xFFFFFFF0] =	vst v1  }
0x67: {  	[tilespmem:s30+$0x0] =	vst v0  }
0x68: {  	[tilespmem:s4+$0x0] =	vst v1  }
0x69: {  	[tilespmem:s5+$0x0] =	vst v0  }
0x6a: {  	[tilespmem:s6+$0x0] =	vst v1  }
0x6b: {  	[tilespmem:s7+$0x0] =	vst v0  }
0x6c: {  	[tilespmem:s19+$0x0] =	vst v1  }
0x6d: {  	[tilespmem:s20+$0x0] =	vst v0  }
0x6e: {  	[tilespmem:s22+$0x0] =	vst v1  }
0x6f: {  	[tilespmem:s30+$0x10] =	vst v0  }
0x70: {  	[tilespmem:s4+$0x10] =	vst v1  }
0x71: {  	[tilespmem:s5+$0x10] =	vst v0  }
0x72: {  	[tilespmem:s6+$0x10] =	vst v1  }
0x73: {  	[tilespmem:s7+$0x10] =	vst v0  }
0x74: {  	[tilespmem:s19+$0x10] =	vst v1  }
0x75: {  	[tilespmem:s20+$0x10] =	vst v0  }
0x76: {  	[tilespmem:s22+$0x10] =	vst v1  }
0x77: {  	[tilespmem:s30+$0xFFFFFFE0] =	vst v0  }
0x78: {  	s29 =	sadd.s32 $0x4, s29;
	[tilespmem:s4+$0xFFFFFFE0] =	vst v1  }
0x79: {  	p0 =	slt.u32 s29, $0x3C;
	[tilespmem:s5+$0xFFFFFFE0] =	vst v0  }
.Ltmp0:
0x7a: {  	[tilespmem:s6+$0xFFFFFFE0] =	vst v1;
	(pc) =	sbr.rel @p0 .LBB2_2-.Ltmp0, $4  }
0x7b: {  	[tilespmem:s7+$0xFFFFFFE0] =	vst v0  }
0x7c: {  	[tilespmem:s19+$0xFFFFFFE0] =	vst v1  }
0x7d: {  	[tilespmem:s20+$0xFFFFFFE0] =	vst v0  }
0x7e: {  	s30 =	sadd.s32 $0x40, s30;
	[tilespmem:s22+$0xFFFFFFE0] =	vst v1  }
0x7f: {  	v4 =	vld [tilespmem:s28+$0xFFFFFFF0];
	_ =	sdelay $0x1  }
0x80: {  	v5 =	vld [tilespmem:s28+$0x0]  }
0x81: {  	v6 =	vld [tilespmem:s26+$0x0]  }
0x82: {  	v15 =	vld [tilespmem:s24+$0x0]  }
0x83: {  	v20 =	vld [tilespmem:s25+$0x0]  }
0x84: {  	v7 =	vld [tilespmem:s26+$0xFFFFFFF0]  }
0x85: {  	v17 =	vld [tilespmem:s25+$0xFFFFFFF0]  }
0x86: {  	v12 =	vld.idx.msk [tilespmem:v4+s3+$0x0], $0xffff  }
0x87: {  	v18 =	vld [tilespmem:s24+$0xFFFFFFF0];
	s24 =	simm.s32 $0x830  }
0x88: {  	v22 =	vld [tilespmem:s24+$0xFFFFFFF0]  }
0x89: {  	v16 =	vld.idx.msk [tilespmem:v4+s23+$0x0], $0xffff  }
0x8a: {  	v8 =	vld.idx.msk [tilespmem:v5+s23+$0x0], $0xffff  }
0x8b: {  	v10 =	vld.idx.msk [tilespmem:v6+s23+$0x0], $0xffff;
	(xrf1) =	vunique.msk.u32 $0xffff, v12  }
0x8c: {  	v4 =	vld.idx.msk [tilespmem:v6+s3+$0x0], $0xffff  }
0x8d: {  	v13 =	vld.idx.msk [tilespmem:v7+s23+$0x0], $0xffff  }
0x8e: {  	v6 =	vld.idx.msk [tilespmem:v20+s3+$0x0], $0xffff  }
0x8f: {  	v11 =	vld.idx.msk [tilespmem:v5+s3+$0x0], $0xffff  }
0x90: {  	v5 =	vld.idx.msk [tilespmem:v15+s3+$0x0], $0xffff  }
0x91: {  	v7 =	vld.idx.msk [tilespmem:v7+s3+$0x0], $0xffff  }
0x92: {  	v9 =	vld.idx.msk [tilespmem:v18+s3+$0x0], $0xffff  }
0x93: {  	v14 =	vld.idx.msk [tilespmem:v17+s3+$0x0], $0xffff;
	(xrf1) =	vunique.msk.u32 $0xffff, v6  }
0x94: {  	v18 =	vld.idx.msk [tilespmem:v18+s23+$0x0], $0xffff  }
0x95: {  	v21 =	vld.idx.msk [tilespmem:v17+s23+$0x0], $0xffff;
	(xrf1) =	vunique.msk.u32 $0xffff, v11  }
0x96: {  	v17 =	vld [tilespmem:s24+$0x0];
	(xrf1) =	vunique.msk.u32 $0xffff, v7  }
0x97: {  	v19 =	vld.idx.msk [tilespmem:v15+s23+$0x0], $0xffff;
	[tilespmem:s12+$0xFFFFFFF0] =	vst v12;
	(xrf1) =	vunique.msk.u32 $0xffff, v5  }
0x98: {  	s28 =	simm.s32 $0x2;
	s4 =	simm.s32 $0x1030;
	s7 =	simm.s32 $0x1830;
	v23 =	vld.idx.msk [tilespmem:v20+s23+$0x0], $0xffff;
	[tilespmem:s12+$0x0] =	vst v11;
	(xrf1) =	vunique.msk.u32 $0xffff, v14  }
0x99: {  	s6 =	simm.s32 $0x2030;
	s19 =	simm.s32 $0x3830;
	s5 =	simm.s32 $0x3030;
	[tilespmem:s21+$0xFFFFFFF0] =	vst v14;
	_, v24, vm0 =	vpop (xrf1);
	(xrf1) =	vunique.msk.u32 $0xffff, v9  }
0x9a: {  	s22 =	simm.s32 $0x2830;
	s20 =	simm.s32 $0x4830;
	s25 =	simm.s32 $0x5810;
	v20 =	vld [tilespmem:s6+$0x0];
	[tilespmem:s21+$0x0] =	vst v6  }
0x9b: {  	s26 =	simm.s32 $0x6010;
	v15 =	vld [tilespmem:s7+$0x0];
	s12 =	simm.s32 $0x5030;
	s21 =	simm.s32 $0x4030;
	[tilespmem:s18+$0xFFFFFFF0] =	vst v9  }
.LBB2_4:
0x9c: {  	s28 =	sadd.s32 $0x2, s28;
	v25 =	vld [tilespmem:s4+$0x0];
	[tilespmem:s18+$0x0] =	vst v5;
	s13 =	sadd.s32 $0x20, s13;
	s14 =	sadd.s32 $0x20, s14  }
0x9d: {  	s18 =	smov.u32 s19;
	s29 =	smov.u32 s5;
	p0 =	slt.u32 s28, $0x7E;
	v26 =	vld [tilespmem:s6+$0xFFFFFFF0];
	[tilespmem:s17+$0x0] =	vst v4  }
0x9e: {  	v27 =	vld.idx.msk [tilespmem:v22+s23+$0x0], $0xffff;
	[tilespmem:s16+$0x0] =	vst v8;
	(xrf1) =	vunique.msk.u32 $0xffff, v4  }
0x9f: {  	v8 =	vld.idx.msk [tilespmem:v17+s23+$0x0], $0xffff;
	[tilespmem:s17+$0xFFFFFFF0] =	vst v7;
	s17 =	smov.u32 s21  }
0xa0: {  	v28 =	vld [tilespmem:s4+$0xFFFFFFF0];
	[tilespmem:s16+$0xFFFFFFF0] =	vst v16;
	s16 =	smov.u32 s20  }
0xa1: {  	v29 =	vld [tilespmem:s7+$0xFFFFFFF0];
	[tilespmem:s15+$0xFFFFFFF0] =	vst v21;
	_, v21, vm1 =	vpop (xrf1)  }
0xa2: {  	v22 =	vld.idx.msk [tilespmem:v22+s3+$0x0], $0xffff;
	[tilespmem:s25+$0xFFFFFFF0] =	vst v18  }
0xa3: {  	v18 =	vld.idx.msk [tilespmem:v20+s23+$0x0], $0xffff;
	[tilespmem:s26+$0xFFFFFFF0] =	vst v13;
	_, v30, vm4 =	vpop (xrf1)  }
0xa4: {  	v16 =	vmov v27;
	v20 =	vld.idx.msk [tilespmem:v20+s3+$0x0], $0xffff;
	[tilespmem:s15+$0x0] =	vst v23;
	_, v23, vm2 =	vpop (xrf1);
	s15 =	smov.u32 s12  }
0xa5: {  	v13 =	vld.idx.msk [tilespmem:v26+s23+$0x0], $0xffff;
	[tilespmem:s25+$0x0] =	vst v19;
	_, v19, vm3 =	vpop (xrf1);
	s25 =	smov.u32 s14  }
0xa6: {  	[tilespmem:v12+s10+$0x0] =	vst.idx.add.s32.msk vm0, v24;
	_, v24, vm0 =	vpop (xrf1)  }
0xa7: {  	v27 =	vld.idx.msk [tilespmem:v25+s3+$0x0], $0xffff;
	[tilespmem:s26+$0x0] =	vst v10;
	_, v31, vm5 =	vpop (xrf1);
	v12 =	vmov v22;
	s26 =	smov.u32 s13  }
0xa8: {  	v17 =	vld.idx.msk [tilespmem:v17+s3+$0x0], $0xffff  }
0xa9: {  	v10 =	vmov v18;
	v22 =	vld.idx.msk [tilespmem:v15+s3+$0x0], $0xffff  }
0xaa: {  	v18 =	vld.idx.msk [tilespmem:v26+s3+$0x0], $0xffff  }
0xab: {  	(xrf1) =	vunique.msk.u32 $0xffff, v12;
	[tilespmem:v11+s10+$0x0] =	vst.idx.add.s32.msk vm4, v30  }
0xac: {  	[tilespmem:v14+s11+$0x0] =	vst.idx.add.s32.msk vm0, v24;
	_, v24, vm0 =	vpop (xrf1)  }
0xad: {  	[tilespmem:v9+s2+$0x0] =	vst.idx.add.s32.msk vm5, v31;
	v11 =	vmov v17  }
0xae: {  	v9 =	vld.idx.msk [tilespmem:v29+s3+$0x0], $0xffff  }
0xaf: {  	[tilespmem:v7+s1+$0x0] =	vst.idx.add.s32.msk vm2, v23;
	v7 =	vmov v18  }
0xb0: {  	[tilespmem:v6+s11+$0x0] =	vst.idx.add.s32.msk vm1, v21;
	v6 =	vmov v27  }
0xb1: {  	[tilespmem:v5+s2+$0x0] =	vst.idx.add.s32.msk vm3, v19;
	v5 =	vmov v22  }
0xb2: {  	v14 =	vld.idx.msk [tilespmem:v28+s3+$0x0], $0xffff  }
0xb3: {  	(xrf1) =	vunique.msk.u32 $0xffff, v6;
	[tilespmem:v4+s1+$0x0] =	vst.idx.add.s32.msk vm0, v24;
	v4 =	vmov v20  }
0xb4: {  	v18 =	vld.idx.msk [tilespmem:v29+s23+$0x0], $0xffff  }
0xb5: {  	s24 =	sadd.s32 $0x20, s24;
	v21 =	vld.idx.msk [tilespmem:v28+s23+$0x0], $0xffff;
	(xrf1) =	vunique.msk.u32 $0xffff, v11  }
0xb6: {  	s4 =	sadd.s32 $0x20, s4;
	v22 =	vld [tilespmem:s24+$0xFFFFFFF0];
	[tilespmem:s22+$0xFFFFFFF0] =	vst v12;
	(xrf1) =	vunique.msk.u32 $0xffff, v7  }
.Ltmp1:
0xb7: {  	v17 =	vld [tilespmem:s24+$0x0];
	(xrf1) =	vunique.msk.u32 $0xffff, v5;
	(pc) =	sbr.rel @p0 .LBB2_4-.Ltmp1, $4  }
0xb8: {  	s7 =	sadd.s32 $0x20, s7;
	[tilespmem:s5+$0xFFFFFFF0] =	vst v14;
	v19 =	vld.idx.msk [tilespmem:v15+s23+$0x0], $0xffff;
	(xrf1) =	vunique.msk.u32 $0xffff, v14  }
0xb9: {  	s6 =	sadd.s32 $0x20, s6;
	[tilespmem:s19+$0xFFFFFFF0] =	vst v9;
	v23 =	vld.idx.msk [tilespmem:v25+s23+$0x0], $0xffff;
	_, v24, vm0 =	vpop (xrf1);
	(xrf1) =	vunique.msk.u32 $0xffff, v9  }
0xba: {  	s5 =	sadd.s32 $0x20, s5;
	s19 =	sadd.s32 $0x20, s19;
	v20 =	vld [tilespmem:s6+$0x0];
	[tilespmem:s22+$0x0] =	vst v11;
	s22 =	sadd.s32 $0x20, s22  }
0xbb: {  	s21 =	sadd.s32 $0x20, s21;
	s20 =	sadd.s32 $0x20, s20;
	s12 =	sadd.s32 $0x20, s12;
	v15 =	vld [tilespmem:s7+$0x0];
	[tilespmem:s29+$0x0] =	vst v6  }
0xbc: {  	_ =	sdelay $0x1  }
0xbd: {  	v25 =	vld [tilespmem:s6+$0xFFFFFFF0];
	[tilespmem:s18+$0x0] =	vst v5  }
0xbe: {  	v26 =	vld [tilespmem:s4+$0x0];
	[tilespmem:s17+$0xFFFFFFF0] =	vst v7  }
0xbf: {  	v27 =	vld.idx.msk [tilespmem:v22+s23+$0x0], $0xffff;
	[tilespmem:s17+$0x0] =	vst v4  }
0xc0: {  	v28 =	vld.idx.msk [tilespmem:v17+s23+$0x0], $0xffff;
	[tilespmem:s16+$0xFFFFFFF0] =	vst v16  }
0xc1: {  	v29 =	vld [tilespmem:s4+$0xFFFFFFF0];
	[tilespmem:s15+$0xFFFFFFF0] =	vst v21  }
0xc2: {  	(xrf1) =	vunique.msk.u32 $0xffff, v4;
	v17 =	vld.idx.msk [tilespmem:v17+s3+$0x0], $0xffff;
	[tilespmem:s16+$0x0] =	vst v8  }
0xc3: {  	v16 =	vld [tilespmem:s7+$0xFFFFFFF0];
	[tilespmem:s25+$0xFFFFFFF0] =	vst v18  }
0xc4: {  	v21 =	vld.idx.msk [tilespmem:v22+s3+$0x0], $0xffff;
	[tilespmem:s15+$0x0] =	vst v23;
	_, v30, vm1 =	vpop (xrf1)  }
0xc5: {  	v18 =	vld.idx.msk [tilespmem:v20+s3+$0x0], $0xffff;
	[tilespmem:s26+$0xFFFFFFF0] =	vst v13;
	_, v22, vm2 =	vpop (xrf1)  }
0xc6: {  	[tilespmem:s25+$0x0] =	vst v19;
	v19 =	vld.idx.msk [tilespmem:v15+s3+$0x0], $0xffff  }
0xc7: {  	[tilespmem:v12+s10+$0x0] =	vst.idx.add.s32.msk vm0, v24;
	_, v31, vm3 =	vpop (xrf1)  }
0xc8: {  	v13 =	vld.idx.msk [tilespmem:v25+s23+$0x0], $0xffff;
	_, v32, vm4 =	vpop (xrf1)  }
0xc9: {  	v8 =	vld.idx.msk [tilespmem:v26+s3+$0x0], $0xffff  }
0xca: {  	[tilespmem:s26+$0x0] =	vst v10;
	v10 =	vld.idx.msk [tilespmem:v25+s3+$0x0], $0xffff;
	_, v12, vm0 =	vpop (xrf1)  }
0xcb: {  	[tilespmem:v11+s10+$0x0] =	vst.idx.add.s32.msk vm2, v22  }
0xcc: {  	_, v24, vm5 =	vpop (xrf1);
	[tilespmem:v6+s11+$0x0] =	vst.idx.add.s32.msk vm1, v30  }
0xcd: {  	v6 =	vld.idx.msk [tilespmem:v20+s23+$0x0], $0xffff  }
0xce: {  	[tilespmem:v5+s2+$0x0] =	vst.idx.add.s32.msk vm4, v32  }
0xcf: {  	v5 =	vld.idx.msk [tilespmem:v29+s23+$0x0], $0xffff  }
0xd0: {  	_, v11, vm8 =	vpop (xrf1);
	[tilespmem:v14+s11+$0x0] =	vst.idx.add.s32.msk vm0, v12  }
0xd1: {  	v12 =	vld.idx.msk [tilespmem:v29+s3+$0x0], $0xffff  }
0xd2: {  	(xrf1) =	vunique.msk.u32 $0xffff, v21;
	[tilespmem:v9+s2+$0x0] =	vst.idx.add.s32.msk vm5, v24  }
0xd3: {  	(xrf1) =	vunique.msk.u32 $0xffff, v8;
	v9 =	vld.idx.msk [tilespmem:v16+s3+$0x0], $0xffff  }
0xd4: {  	(xrf1) =	vunique.msk.u32 $0xffff, v17;
	[tilespmem:v7+s1+$0x0] =	vst.idx.add.s32.msk vm3, v31  }
0xd5: {  	(xrf1) =	vunique.msk.u32 $0xffff, v10;
	v7 =	vld.idx.msk [tilespmem:v15+s23+$0x0], $0xffff  }
0xd6: {  	(xrf1) =	vunique.msk.u32 $0xffff, v19;
	[tilespmem:v4+s1+$0x0] =	vst.idx.add.s32.msk vm8, v11  }
0xd7: {  	v4 =	vld.idx.msk [tilespmem:v16+s23+$0x0], $0xffff;
	[tilespmem:s22+$0xFFFFFFF0] =	vst v21;
	(xrf1) =	vunique.msk.u32 $0xffff, v12  }
0xd8: {  	v11 =	vld.idx.msk [tilespmem:v26+s23+$0x0], $0xffff;
	[tilespmem:s22+$0x0] =	vst v17;
	(xrf1) =	vunique.msk.u32 $0xffff, v9  }
0xd9: {  	[tilespmem:s5+$0xFFFFFFF0] =	vst v12  }
0xda: {  	[tilespmem:s5+$0x0] =	vst v8;
	(xrf1) =	vunique.msk.u32 $0xffff, v18  }
0xdb: {  	[tilespmem:s19+$0xFFFFFFF0] =	vst v9  }
0xdc: {  	[tilespmem:s19+$0x0] =	vst v19  }
0xdd: {  	[tilespmem:s21+$0x0] =	vst v18  }
0xde: {  	[tilespmem:s21+$0xFFFFFFF0] =	vst v10  }
0xdf: {  	[tilespmem:s20+$0x0] =	vst v28  }
0xe0: {  	_, v14, vm9 =	vpop (xrf1);
	[tilespmem:s20+$0xFFFFFFF0] =	vst v27  }
0xe1: {  	[tilespmem:s12+$0xFFFFFFF0] =	vst v5;
	_, v15, vm10 =	vpop (xrf1)  }
0xe2: {  	s18 =	sadd.s32 $0x20, s14;
	[tilespmem:s12+$0x0] =	vst v11;
	_, v16, vm11 =	vpop (xrf1)  }
0xe3: {  	[tilespmem:s18+$0xFFFFFFF0] =	vst v4;
	_, v5, vm12 =	vpop (xrf1)  }
0xe4: {  	s19 =	sadd.s32 $0x20, s13;
	[tilespmem:s18+$0x0] =	vst v7;
	_, v4, vm13 =	vpop (xrf1)  }
0xe5: {  	[tilespmem:s19+$0xFFFFFFF0] =	vst v13;
	_, v13, vm14 =	vpop (xrf1)  }
0xe6: {  	[tilespmem:v21+s10+$0x0] =	vst.idx.add.s32.msk vm9, v14;
	_, v14, vm0 =	vpop (xrf1)  }
0xe7: {  	[tilespmem:s19+$0x0] =	vst v6  }
0xe8: {  	[tilespmem:v17+s10+$0x0] =	vst.idx.add.s32.msk vm11, v16;
	_, v6, vm15 =	vpop (xrf1)  }
0xe9: {  	[tilespmem:v8+s11+$0x0] =	vst.idx.add.s32.msk vm10, v15  }
0xea: {  	[tilespmem:v19+s2+$0x0] =	vst.idx.add.s32.msk vm13, v4  }
0xeb: {  	[tilespmem:v12+s11+$0x0] =	vst.idx.add.s32.msk vm14, v13  }
0xec: {  	[tilespmem:v9+s2+$0x0] =	vst.idx.add.s32.msk vm0, v14  }
0xed: {  	[tilespmem:v10+s1+$0x0] =	vst.idx.add.s32.msk vm12, v5  }
0xee: {  	[tilespmem:v18+s1+$0x0] =	vst.idx.add.s32.msk vm15, v6  }
0xef: {  	s20 =	simm.s32 $0x4800;
	s0 =	rddreg [dreg:$0xa]  }
0xf0: {  	[hbm4b:s0+s9] =	stream.strided.scatter [tilespmem:s20], [sflag:$0x1], $0x800, s23, s9, $0x38;
	[tilespmem:$0x9000] =	vst v63  }
0xf1: {  	s22 =	simm.s32 $0x5000;
	s21 =	rddreg [dreg:$0xb]  }
0xf2: {  	[hbm4b:s21+s9] =	stream.strided.scatter [tilespmem:s22], [sflag:$0x1], $0x800, s23, s9, $0x38;
	[tilespmem:$0x9000] =	vst v63  }
0xf3: {  	s25 =	simm.s32 $0x5800;
	s24 =	rddreg [dreg:$0xc]  }
0xf4: {  	[hbm4b:s24+s9] =	stream.strided.scatter [tilespmem:s25], [sflag:$0x1], $0x800, s23, s9, $0x38;
	[tilespmem:$0x9000] =	vst v63  }
0xf5: {  	s31 =	simm.s32 $0x6000;
	s19 =	simm.s32 $0x6810;
	s26 =	rddreg [dreg:$0xd]  }
0xf6: {  	[hbm4b:s26+s9] =	stream.strided.scatter [tilespmem:s31], [sflag:$0x1], $0x800, s23, s9, $0x38;
	[tilespmem:$0x9000] =	vst v63  }
0xf7: {  	s15 =	simm.s32 $0x6C10;
	v21 =	vld [tilespmem:s19+$0x0]  }
0xf8: {  	s20 =	simm.s32 $0x7010;
	v25 =	vld [tilespmem:s15+$0x0]  }
0xf9: {  	s21 =	simm.s32 $0x7410;
	v28 =	vld [tilespmem:s20+$0x0]  }
0xfa: {  	v29 =	vld [tilespmem:s21+$0x0]  }
0xfb: {  	v6 =	vld [tilespmem:s19+$0xFFFFFFF0]  }
0xfc: {  	v16 =	vld [tilespmem:s15+$0xFFFFFFF0];
	(xrf0) =	vadd.scan.msk.s32 $0xffff, v21  }
0xfd: {  	v17 =	vld [tilespmem:s20+$0xFFFFFFF0];
	(xrf0) =	vadd.scan.msk.s32 $0xffff, v25  }
0xfe: {  	(xrf0) =	vadd.scan.msk.s32 $0xffff, v28  }
0xff: {  	v18 =	vld [tilespmem:s21+$0xFFFFFFF0];
	(xrf0) =	vadd.scan.msk.s32 $0xffff, v29  }
0x100: {  	(xrf0) =	vadd.scan.msk.s32 $0xffff, v6  }
0x101: {  	(xrf0) =	vadd.scan.msk.s32 $0xffff, v16  }
0x102: {  	(xrf0) =	vadd.scan.msk.s32 $0xffff, v17;
	v30, _, _ =	vpop (xrf0)  }
0x103: {  	v33, _, _ =	vpop (xrf0);
	(v2sf) =	vpush v30, $0xF  }
0x104: {  	s14 =	simm.s32 $0x6830;
	(xrf0) =	vadd.scan.msk.s32 $0xffff, v18;
	v35, _, _ =	vpop (xrf0);
	(v2sf) =	vpush v33, $0xF  }
0x105: {  	s18 =	simm.s32 $0x6C30;
	v8 =	vld [tilespmem:s14+$0x0];
	v12, _, _ =	vpop (xrf0);
	(v2sf) =	vpush v35, $0xF  }
0x106: {  	s17 =	simm.s32 $0x7030;
	v9 =	vld [tilespmem:s18+$0x0];
	v19, _, _ =	vpop (xrf0);
	(v2sf) =	vpush v12, $0xF  }
0x107: {  	s16 =	simm.s32 $0x7430;
	v7 =	vld [tilespmem:s17+$0x0];
	v20, _, _ =	vpop (xrf0);
	(v2sf) =	vpush v19, $0xF  }
0x108: {  	v10 =	vld [tilespmem:s16+$0x0];
	v24, _, _ =	vpop (xrf0);
	(v2sf) =	vpush v20, $0xF  }
0x109: {  	v27 =	vld [tilespmem:s14+$0xFFFFFFF0];
	(v2sf) =	vpush v24, $0xF  }
0x10a: {  	v34 =	vld [tilespmem:s18+$0xFFFFFFF0];
	v26, _, _ =	vpop (xrf0);
	(xrf0) =	vadd.scan.msk.s32 $0xffff, v8  }
0x10b: {  	v36 =	vld [tilespmem:s17+$0xFFFFFFF0];
	(v2sf) =	vpush v26, $0xF;
	(xrf0) =	vadd.scan.msk.s32 $0xffff, v9  }
0x10c: {  	v37 =	vld [tilespmem:s16+$0xFFFFFFF0];
	(xrf0) =	vadd.scan.msk.s32 $0xffff, v7  }
0x10d: {  	(xrf0) =	vadd.scan.msk.s32 $0xffff, v10  }
0x10e: {  	(xrf0) =	vadd.scan.msk.s32 $0xffff, v27  }
0x10f: {  	s13 =	simm.s32 $0x6850;
	(xrf0) =	vadd.scan.msk.s32 $0xffff, v34  }
0x110: {  	v4 =	vld [tilespmem:s13+$0x0];
	(xrf0) =	vadd.scan.msk.s32 $0xffff, v36;
	v13, _, _ =	vpop (xrf0)  }
0x111: {  	s22 =	simm.s32 $0x6C50;
	s9 =	simm.s32 $0x0;
	(xrf0) =	vadd.scan.msk.s32 $0xffff, v37;
	v15, _, _ =	vpop (xrf0);
	(v2sf) =	vpush v13, $0xF  }
0x112: {  	s28 =	simm.s32 $0x7050;
	v5 =	vld [tilespmem:s22+$0x0];
	v22 =	vsub.s32 s9, v6;
	v14, _, _ =	vpop (xrf0);
	s0 =	spop (v2sf);
	(v2sf) =	vpush v15, $0xF  }
0x113: {  	s5 =	simm.s32 $0x7450;
	v11 =	vld [tilespmem:s28+$0x0];
	v31 =	vsub.s32 s9, v16;
	v16, _, _ =	vpop (xrf0);
	s8 =	spop (v2sf);
	(v2sf) =	vpush v14, $0xF  }
0x114: {  	v61 =	vsub.s32 s9, v17;
	v6 =	vld [tilespmem:s5+$0x0];
	v23, _, _ =	vpop (xrf0);
	s10 =	spop (v2sf);
	(v2sf) =	vpush v16, $0xF  }
0x115: {  	v38 =	vsub.s32 s9, v18;
	v17 =	vld [tilespmem:s13+$0xFFFFFFF0];
	v19 =	vadd.s32 v19, v22;
	(xrf0) =	vadd.scan.msk.s32 $0xffff, v4;
	v22, _, _ =	vpop (xrf0);
	s11 =	spop (v2sf);
	(v2sf) =	vpush v23, $0xF  }
0x116: {  	v18 =	vld [tilespmem:s22+$0xFFFFFFF0];
	v20 =	vadd.s32 v20, v31;
	v31 =	vadd.s32 v24, v61;
	v24, _, _ =	vpop (xrf0);
	s24 =	spop (v2sf);
	(v2sf) =	vpush v22, $0xF  }
0x117: {  	[tilespmem:s19+$0xFFFFFFF0] =	vst v19;
	v19 =	vld [tilespmem:s28+$0xFFFFFFF0];
	v62 =	vadd.s32 v26, v38;
	(xrf0) =	vadd.scan.msk.s32 $0xffff, v5;
	v26, _, _ =	vpop (xrf0);
	s25 =	spop (v2sf);
	(v2sf) =	vpush v24, $0xF;
	s7 =	sadd.s32 $0x0, s24  }
0x118: {  	[tilespmem:s15+$0xFFFFFFF0] =	vst v20;
	v20 =	vld [tilespmem:s5+$0xFFFFFFF0];
	(xrf0) =	vadd.scan.msk.s32 $0xffff, v11;
	s24 =	spop (v2sf);
	(v2sf) =	vpush v26, $0xF;
	v21 =	vsub.s32 s7, v21  }
0x119: {  	[tilespmem:s20+$0xFFFFFFF0] =	vst v31;
	(xrf0) =	vadd.scan.msk.s32 $0xffff, v6;
	s7 =	sadd.s32 s7, s0;
	s12 =	sadd.s32 $0x0, s25  }
0x11a: {  	[tilespmem:s21+$0xFFFFFFF0] =	vst v62;
	(xrf0) =	vadd.scan.msk.s32 $0xffff, v17;
	s26 =	spop (v2sf);
	v27 =	vsub.s32 s7, v27;
	s24 =	sadd.s32 $0x0, s24;
	v31 =	vadd.s32 v30, v21;
	s4 =	sadd.s32 s12, s8  }
0x11b: {  	s6 =	simm.s32 $0x4;
	(xrf0) =	vadd.scan.msk.s32 $0xffff, v18;
	v63 =	vsub.s32 s12, v25;
	s31 =	sadd.s32 $0x0, s26;
	v39 =	vsub.s32 s24, v28;
	v30 =	vsub.s32 s4, v34;
	v21, _, _ =	vpop (xrf0)  }
0x11c: {  	s30 =	simm.s32 $0x6870;
	(xrf0) =	vadd.scan.msk.s32 $0xffff, v19;
	s26 =	sadd.s32 s24, s10;
	v34 =	vadd.s32 v33, v63;
	v32 =	vsub.s32 s31, v29;
	s24 =	sadd.s32 s31, s11;
	(v2sf) =	vpush v21, $0xF  }
0x11d: {  	s29 =	simm.s32 $0x7050;
	s25 =	simm.s32 $0x6C50;
	s12 =	simm.s32 $0x7450;
	v29 =	vsub.s32 s26, v36;
	(xrf0) =	vadd.scan.msk.s32 $0xffff, v20;
	v33 =	vadd.s32 v35, v39;
	v28 =	vsub.s32 s24, v37;
	v25, _, _ =	vpop (xrf0)  }
.LBB2_6:
0x11e: {  	s22 =	sadd.s32 $0x20, s22;
	(v2sf) =	vpush v25, $0xF;
	v27 =	vadd.s32 v23, v27;
	v36 =	vmov v14;
	v14, _, _ =	vpop (xrf0)  }
0x11f: {  	v35 =	vld [tilespmem:s30+$0x0];
	[tilespmem:s19+$0x0] =	vst v31;
	v31 =	vadd.s32 v12, v32;
	v37 =	vmovc v5;
	v12 =	vmovc v16;
	v32 =	vmov v7;
	v7 =	vmov v11;
	s19 =	smov.u32 s14;
	s14 =	smov.u32 s13;
	s13 =	smov.u32 s30  }
0x120: {  	s28 =	sadd.s32 $0x20, s28;
	v30 =	vadd.s32 v22, v30;
	v29 =	vadd.s32 v24, v29;
	v5 =	vld [tilespmem:s22+$0x0];
	v16, _, _ =	vpop (xrf0);
	(v2sf) =	vpush v14, $0xF;
	s10 =	spop (v2sf);
	[tilespmem:s15+$0x0] =	vst v34;
	s15 =	smov.u32 s18  }
0x121: {  	s5 =	sadd.s32 $0x20, s5;
	v28 =	vadd.s32 v26, v28;
	s18 =	smov.u32 s25;
	v11 =	vld [tilespmem:s28+$0x0];
	v23, _, _ =	vpop (xrf0);
	(v2sf) =	vpush v16, $0xF;
	s8 =	spop (v2sf);
	[tilespmem:s20+$0x0] =	vst v33;
	v33 =	vmov v10  }
0x122: {  	v34 =	vmov v18;
	s25 =	smov.u32 s22;
	v10 =	vmov v6;
	s20 =	smov.u32 s17;
	v22, _, _ =	vpop (xrf0);
	(v2sf) =	vpush v23, $0xF;
	s9 =	spop (v2sf);
	[tilespmem:s21+$0x0] =	vst v31;
	v6 =	vld [tilespmem:s5+$0x0]  }
0x123: {  	v39 =	vmov v19;
	v40 =	vmov v20;
	s17 =	smov.u32 s29;
	s29 =	smov.u32 s28;
	v38 =	vld [tilespmem:s30+$0xFFFFFFF0];
	v24, _, _ =	vpop (xrf0);
	(v2sf) =	vpush v22, $0xF;
	[tilespmem:s19+$0xFFFFFFF0] =	vst v27;
	s11 =	spop (v2sf)  }
0x124: {  	s6 =	sadd.s32 $0x2, s6;
	v41 =	vmov v15;
	s21 =	smov.u32 s16;
	v18 =	vld [tilespmem:s22+$0xFFFFFFF0];
	(xrf0) =	vadd.scan.msk.s32 $0xffff, v35;
	v26, _, _ =	vpop (xrf0);
	(v2sf) =	vpush v24, $0xF;
	[tilespmem:s15+$0xFFFFFFF0] =	vst v30;
	s31 =	spop (v2sf)  }
0x125: {  	v15 =	vmov v25;
	p0 =	slt.u32 s6, $0x3E;
	s16 =	smov.u32 s12;
	v19 =	vld [tilespmem:s28+$0xFFFFFFF0];
	(xrf0) =	vadd.scan.msk.s32 $0xffff, v5;
	(v2sf) =	vpush v26, $0xF;
	[tilespmem:s20+$0xFFFFFFF0] =	vst v29;
	s0 =	spop (v2sf)  }
0x126: {  	s12 =	smov.u32 s5;
	s7 =	sadd.s32 s7, s31;
	v20 =	vld [tilespmem:s5+$0xFFFFFFF0];
	(xrf0) =	vadd.scan.msk.s32 $0xffff, v11;
	[tilespmem:s21+$0xFFFFFFF0] =	vst v28;
	s31 =	spop (v2sf)  }
.Ltmp2:
0x127: {  	v25 =	vsub.s32 s7, v8;
	s7 =	sadd.s32 s7, s10;
	v8 =	vmovc v4;
	v4 =	vmov v35;
	(xrf0) =	vadd.scan.msk.s32 $0xffff, v6;
	s10 =	spop (v2sf);
	(pc) =	sbr.rel @p0 .LBB2_6-.Ltmp2, $4  }
0x128: {  	s0 =	sadd.s32 s4, s0;
	v27 =	vsub.s32 s7, v17;
	s26 =	sadd.s32 s26, s31;
	v31 =	vadd.s32 v13, v25;
	v13 =	vmovc v21;
	(xrf0) =	vadd.scan.msk.s32 $0xffff, v38;
	s10 =	sadd.s32 s24, s10;
	v17 =	vmov v38  }
0x129: {  	v35 =	vsub.s32 s0, v9;
	s4 =	sadd.s32 s0, s8;
	v9 =	vmovc v37;
	v38 =	vsub.s32 s26, v32;
	s26 =	sadd.s32 s26, s9;
	(xrf0) =	vadd.scan.msk.s32 $0xffff, v18;
	v32 =	vsub.s32 s10, v33;
	s24 =	sadd.s32 s10, s11  }
0x12a: {  	v30 =	vsub.s32 s4, v34;
	v29 =	vsub.s32 s26, v39;
	(xrf0) =	vadd.scan.msk.s32 $0xffff, v19;
	v21, _, _ =	vpop (xrf0);
	v28 =	vsub.s32 s24, v40  }
0x12b: {  	s30 =	sadd.s32 $0x20, s30;
	v34 =	vadd.s32 v41, v35;
	v33 =	vadd.s32 v36, v38;
	(xrf0) =	vadd.scan.msk.s32 $0xffff, v20;
	v25, _, _ =	vpop (xrf0);
	(v2sf) =	vpush v21, $0xF  }
0x12c: {  	v35, _, _ =	vpop (xrf0);
	(v2sf) =	vpush v25, $0xF  }
0x12d: {  	v36, _, _ =	vpop (xrf0);
	(v2sf) =	vpush v35, $0xF  }
0x12e: {  	v37, _, _ =	vpop (xrf0);
	(v2sf) =	vpush v36, $0xF  }
0x12f: {  	v38, _, _ =	vpop (xrf0);
	(v2sf) =	vpush v37, $0xF  }
0x130: {  	v39, _, _ =	vpop (xrf0);
	(v2sf) =	vpush v38, $0xF  }
0x131: {  	v40, _, _ =	vpop (xrf0);
	(v2sf) =	vpush v39, $0xF  }
0x132: {  	[tilespmem:s19+$0x0] =	vst v31;
	s0 =	spop (v2sf);
	(v2sf) =	vpush v40, $0xF  }
0x133: {  	v23 =	vadd.s32 v23, v27;
	[tilespmem:s15+$0x0] =	vst v34;
	s5 =	spop (v2sf)  }
0x134: {  	[tilespmem:s14+$0xFFFFFFF0] =	vst v23;
	s6 =	spop (v2sf)  }
0x135: {  	v53 =	vadd.s32 v22, v30;
	[tilespmem:s20+$0x0] =	vst v33;
	s8 =	spop (v2sf)  }
0x136: {  	v12 =	vadd.s32 v12, v32;
	[tilespmem:s18+$0xFFFFFFF0] =	vst v53;
	s9 =	spop (v2sf)  }
0x137: {  	v54 =	vadd.s32 v24, v29;
	[tilespmem:s21+$0x0] =	vst v12;
	s10 =	spop (v2sf);
	s7 =	sadd.s32 s7, s9  }
0x138: {  	v55 =	vadd.s32 v26, v28;
	[tilespmem:s17+$0xFFFFFFF0] =	vst v54;
	s15 =	spop (v2sf);
	v8 =	vsub.s32 s7, v8;
	s4 =	sadd.s32 s4, s10  }
0x139: {  	[tilespmem:s16+$0xFFFFFFF0] =	vst v55;
	s19 =	spop (v2sf);
	s9 =	sadd.s32 s26, s15;
	v8 =	vadd.s32 v13, v8;
	v9 =	vsub.s32 s4, v9  }
0x13a: {  	s0 =	sadd.s32 s7, s0;
	v7 =	vsub.s32 s9, v7;
	v9 =	vadd.s32 v15, v9;
	[tilespmem:s14+$0x0] =	vst v8;
	s11 =	spop (v2sf)  }
0x13b: {  	v57 =	vsub.s32 s0, v17;
	s10 =	sadd.s32 s24, s19;
	v7 =	vadd.s32 v14, v7;
	[tilespmem:s18+$0x0] =	vst v9;
	s20 =	spop (v2sf)  }
0x13c: {  	s4 =	sadd.s32 s4, s5;
	v56 =	vsub.s32 s10, v10;
	v9 =	vadd.s32 v37, v57;
	[tilespmem:s17+$0x0] =	vst v7;
	s21 =	spop (v2sf)  }
0x13d: {  	s5 =	sadd.s32 s9, s6;
	v58 =	vsub.s32 s4, v18;
	v8 =	vadd.s32 v16, v56;
	[tilespmem:s13+$0xFFFFFFF0] =	vst v9;
	s22 =	spop (v2sf)  }
0x13e: {  	s6 =	sadd.s32 s10, s8;
	v59 =	vsub.s32 s5, v19;
	v7 =	vadd.s32 v38, v58;
	[tilespmem:s16+$0x0] =	vst v8;
	s7 =	spop (v2sf)  }
0x13f: {  	v60 =	vsub.s32 s6, v20;
	v8 =	vadd.s32 v39, v59;
	[tilespmem:s25+$0xFFFFFFF0] =	vst v7;
	s24 =	spop (v2sf);
	s0 =	sadd.s32 s0, s7  }
0x140: {  	v61 =	vadd.s32 v40, v60;
	[tilespmem:s29+$0xFFFFFFF0] =	vst v8;
	s26 =	spop (v2sf);
	v4 =	vsub.s32 s0, v4;
	s28 =	sadd.s32 s4, s24  }
0x141: {  	[tilespmem:s12+$0xFFFFFFF0] =	vst v61;
	s30 =	spop (v2sf);
	s5 =	sadd.s32 s5, s26;
	v4 =	vadd.s32 v21, v4;
	v5 =	vsub.s32 s28, v5  }
0x142: {  	s31 =	sadd.s32 s6, s30;
	v62 =	vsub.s32 s5, v11;
	v5 =	vadd.s32 v25, v5;
	[tilespmem:s13+$0x0] =	vst v4  }
0x143: {  	v4 =	vsub.s32 s31, v6;
	v63 =	vadd.s32 v35, v62;
	[tilespmem:s25+$0x0] =	vst v5  }
0x144: {  	v4 =	vadd.s32 v36, v4;
	[tilespmem:s29+$0x0] =	vst v63  }
0x145: {  	[tilespmem:s12+$0x0] =	vst v4  }
0x146: {  	[tilespmem:$0x88C0] =	vst v0  }
0x147: {  	[tilespmem:$0x8CC0] =	vst v0  }
0x148: {  	[tilespmem:$0x89C0] =	vst v0  }
0x149: {  	s15 =	simm.s32 $0x8A00;
	[tilespmem:$0x8DC0] =	vst v0  }
0x14a: {  	s14 =	simm.s32 $0x8900;
	s9 =	simm.s32 $0x8D00;
	s10 =	simm.s32 $0x6800;
	[tilespmem:$0x8AC0] =	vst v0  }
0x14b: {  	s8 =	simm.s32 $0x8800;
	s16 =	simm.s32 $0x8B00;
	s11 =	simm.s32 $0x6C00;
	[tilespmem:$0x8EC0] =	vst v0  }
0x14c: {  	s7 =	simm.s32 $0x8C00;
	s4 =	simm.s32 $0x0;
	s5 =	simm.s32 $0x0;
	[tilespmem:$0x8BC0] =	vst v0  }
0x14d: {  	s6 =	simm.s32 $0x0;
	s13 =	simm.s32 $0x8F00;
	s12 =	simm.s32 $0x8E00;
	[tilespmem:$0x8FC0] =	vst v0  }
.LBB2_8:
0x14e: {  	s0 =	sshra.s32 s6, $0x2  }
0x14f: {  	v4 =	vld [tilespmem:s0+$0x2800];
	_ =	sdelay $0x2  }
0x150: {  	v5 =	vld [tilespmem:s0+$0x3000];
	_ =	sdelay $0x1  }
0x151: {  	(xrf1) =	vunique.msk.u32 $0xffff, v4  }
0x152: {  	v6 =	vld [tilespmem:s0+$0x3800];
	_ =	sdelay $0x1  }
0x153: {  	(xrf1) =	vunique.msk.u32 $0xffff, v5  }
0x154: {  	v7 =	vld [tilespmem:s0+$0x4000];
	_ =	sdelay $0x1  }
0x155: {  	(xrf1) =	vunique.msk.u32 $0xffff, v6;
	_ =	sdelay $0x2  }
0x156: {  	(xrf1) =	vunique.msk.u32 $0xffff, v7  }
0x157: {  	v8 =	vld.idx.msk [tilespmem:v4+s10+$0x0], $0xffff;
	_ =	sdelay $0x2  }
0x158: {  	v9 =	vld.idx.msk [tilespmem:v5+s11+$0x0], $0xffff  }
0x159: {  	_, v10, vm0 =	vpop (xrf1)  }
0x15a: {  	v8 =	vadd.s32 v10, v8  }
0x15b: {  	v61 =	vld.idx.msk [tilespmem:v6+s2+$0x0], $0xffff;
	v11 =	vadd.s32 $0xFFFFFFFF, v8  }
0x15c: {  	_, v12, vm1 =	vpop (xrf1);
	vm2 =	vlt.s32 v11, $0xCC  }
0x15d: {  	v13 =	vld [tilespmem:s0+$0x800];
	v9 =	vadd.s32 v12, v9  }
0x15e: {  	v62 =	vld.idx.msk [tilespmem:v7+s1+$0x0], $0xffff;
	v15 =	vadd.s32 $0xFFFFFFFF, v9  }
0x15f: {  	v14 =	vld [tilespmem:s0+$0x1000];
	_, v16, vm3 =	vpop (xrf1);
	vm4 =	vlt.s32 v15, $0xCC  }
0x160: {  	v17 =	vld [tilespmem:s0+$0x1800];
	v10 =	vadd.s32 v16, v61  }
0x161: {  	v63 =	vor.u32 s5, v2;
	v18 =	vld [tilespmem:s0+$0x2000];
	[tilespmem:v4+s10+$0x0] =	vst.idx.msk vm0, v8;
	v4 =	vadd.s32 $0xFFFFFFFF, v10  }
0x162: {  	_, v8, vm0 =	vpop (xrf1);
	vm5 =	vlt.s32 v4, $0xCC;
	[tilespmem:v11+s8+$0x0] =	vst.idx.msk vm2, v63  }
0x163: {  	v8 =	vadd.s32 v8, v62;
	[tilespmem:v11+s7+$0x0] =	vst.idx.msk vm2, v13  }
0x164: {  	[tilespmem:v5+s11+$0x0] =	vst.idx.msk vm1, v9;
	v5 =	vadd.s32 $0xFFFFFFFF, v8  }
0x165: {  	[tilespmem:v15+s14+$0x0] =	vst.idx.msk vm4, v63;
	vm15 =	vlt.s32 v5, $0xCC  }
0x166: {  	[tilespmem:v15+s9+$0x0] =	vst.idx.msk vm4, v14  }
0x167: {  	p0 =	sne.s32 s6, $0x1FC0;
	[tilespmem:v6+s2+$0x0] =	vst.idx.msk vm3, v10  }
.Ltmp3:
0x168: {  	[tilespmem:v4+s15+$0x0] =	vst.idx.msk vm5, v63;
	(pc) =	sbr.rel @p0 .LBB2_8-.Ltmp3, $4  }
0x169: {  	[tilespmem:v4+s12+$0x0] =	vst.idx.msk vm5, v17  }
0x16a: {  	[tilespmem:v7+s1+$0x0] =	vst.idx.msk vm0, v8  }
0x16b: {  	[tilespmem:v5+s16+$0x0] =	vst.idx.msk vm15, v63  }
0x16c: {  	s5 =	sadd.s32 $0x10, s5;
	s6 =	sadd.s32 $0x40, s6;
	[tilespmem:v5+s13+$0x0] =	vst.idx.msk vm15, v18  }
0x16d: {  	s0 =	simm.s32 $0x8C10  }
0x16e: {  	v21 =	vld [tilespmem:s0+$0x0]  }
0x16f: {  	v4 =	vmul.u32 $0xFFFFFFFF, v2  }
0x170: {  	s5 =	simm.s32 $0x10  }
0x171: {  	v17 =	vadd.s32 $0xCC, v4;
	v4 =	vmov s5  }
0x172: {  	v16 =	vor.u32 $0x400, v2;
	vm0 =	vlt.u32 v4, v17  }
0x173: {  	v4 =	vsel vm0, v21, v16  }
0x174: {  	v9 =	vld [tilespmem:s0+$0xFFFFFFF0];
	(xrf1) =	vunique.msk.u32 $0xffff, v4;
	_ =	sdelay $0x1  }
0x175: {  	s28 =	simm.s32 $0x8D10  }
0x176: {  	s29 =	simm.s32 $0x8E10;
	v7 =	vld [tilespmem:s28+$0xFFFFFFF0];
	v4 =	vmov s4  }
0x177: {  	v5 =	vld [tilespmem:s29+$0xFFFFFFF0];
	vm3 =	vlt.u32 v4, v17  }
0x178: {  	v4 =	vsel vm3, v9, v16  }
0x179: {  	v6 =	vld [tilespmem:s29+$0x0];
	(xrf1) =	vunique.msk.u32 $0xffff, v4  }
0x17a: {  	s30 =	simm.s32 $0x8F10;
	v13 =	vld [tilespmem:s28+$0x0]  }
0x17b: {  	v10 =	vld [tilespmem:s30+$0xFFFFFFF0];
	v8 =	vsel vm3, v7, v16  }
0x17c: {  	v14 =	vld [tilespmem:s30+$0x0];
	v4 =	vsel vm3, v5, v16;
	(xrf1) =	vunique.msk.u32 $0xffff, v8  }
0x17d: {  	(xrf1) =	vunique.msk.u32 $0xffff, v4  }
0x17e: {  	v4 =	vsel vm0, v6, v16  }
0x17f: {  	v12 =	vsel vm0, v13, v16;
	(xrf1) =	vunique.msk.u32 $0xffff, v4  }
0x180: {  	v18 =	vsel vm3, v10, v16;
	(xrf1) =	vunique.msk.u32 $0xffff, v12  }
0x181: {  	s4 =	simm.s32 $0x8C30;
	v12 =	vsel vm0, v14, v16;
	_, v22, vm2 =	vpop (xrf1);
	(xrf1) =	vunique.msk.u32 $0xffff, v18  }
0x182: {  	v4 =	vld [tilespmem:s4+$0x0];
	(xrf1) =	vunique.msk.u32 $0xffff, v12  }
0x183: {  	s31 =	simm.s32 $0x8D30;
	v11 =	vld [tilespmem:s4+$0xFFFFFFF0]  }
0x184: {  	s7 =	simm.s32 $0x30;
	v15 =	vld [tilespmem:s31+$0xFFFFFFF0];
	s5 =	simm.s32 $0x8E30  }
0x185: {  	s6 =	simm.s32 $0x20;
	v19 =	vmov s7;
	vm1 =	vmmov vm0;
	v8 =	vld [tilespmem:s5+$0xFFFFFFF0]  }
0x186: {  	vm3 =	vmmov vm3;
	vm0 =	vlt.u32 v19, v17;
	v18 =	vmov s6  }
0x187: {  	vm7 =	vmand vm1, vm2;
	vm2 =	vlt.u32 v18, v17;
	v12 =	vsel vm0, v4, v16;
	_, v24, vm4 =	vpop (xrf1)  }
0x188: {  	v18 =	vsel vm2, v11, v16;
	(xrf1) =	vunique.msk.u32 $0xffff, v12;
	vm6 =	vmand vm3, vm4  }
0x189: {  	v12 =	vld [tilespmem:s5+$0x0];
	v20 =	vsel vm2, v15, v16;
	(xrf1) =	vunique.msk.u32 $0xffff, v18  }
0x18a: {  	s7 =	simm.s32 $0x8F30;
	v19 =	vld [tilespmem:s31+$0x0];
	v18 =	vsel vm2, v8, v16;
	_, v23, vm5 =	vpop (xrf1);
	(xrf1) =	vunique.msk.u32 $0xffff, v20  }
0x18b: {  	s12 =	simm.s32 $0x2;
	v25 =	vcvt.s32.f32 v22;
	v20 =	vld [tilespmem:s7+$0xFFFFFFF0];
	_, v22, vm4 =	vpop (xrf1);
	(xrf1) =	vunique.msk.u32 $0xffff, v18;
	vm5 =	vmand vm3, vm5  }
0x18c: {  	s13 =	simm.s32 $0x8D50;
	s17 =	simm.s32 $0x7800;
	s9 =	simm.s32 $0x80;
	v24 =	vcvt.s32.f32 v24;
	v18 =	vld [tilespmem:s7+$0x0]  }
0x18d: {  	s18 =	simm.s32 $0x7C00;
	s19 =	simm.s32 $0x8000;
	s20 =	simm.s32 $0x8400;
	vm4 =	vmand vm3, vm4;
	[tilespmem:v21+s17+$0x0] =	vst.idx.add.f32.msk vm7, v25;
	_, v21, vm7 =	vpop (xrf1)  }
.LBB2_10:
0x18e: {  	s12 =	sadd.s32 $0x2, s12;
	v28 =	vsel vm0, v12, v16;
	s5 =	sadd.s32 $0x20, s5;
	s4 =	sadd.s32 $0x20, s4;
	[tilespmem:v9+s17+$0x0] =	vst.idx.add.f32.msk vm6, v24;
	vm6 =	vmand vm1, vm7;
	_, v24, vm7 =	vpop (xrf1);
	v9 =	vmov v11  }
0x18f: {  	v23 =	vcvt.s32.f32 v23;
	v26 =	vld [tilespmem:s5+$0xFFFFFFF0];
	p0 =	slt.u32 s12, $0xA;
	v29 =	vsel vm0, v19, v16;
	(xrf1) =	vunique.msk.u32 $0xffff, v28;
	vm7 =	vmand vm1, vm7;
	_, v25, vm8 =	vpop (xrf1)  }
0x190: {  	s6 =	sadd.s32 $0x20, s6;
	v11 =	vld [tilespmem:s4+$0xFFFFFFF0];
	v28 =	vsel vm2, v20, v16;
	(xrf1) =	vunique.msk.u32 $0xffff, v29;
	vm8 =	vmand vm3, vm8;
	_, v27, vm3 =	vpop (xrf1)  }
0x191: {  	s7 =	sadd.s32 $0x20, s7;
	v22 =	vcvt.s32.f32 v22;
	s0 =	sadd.s32 $0x10, s6;
	v29 =	vsel vm0, v18, v16;
	(xrf1) =	vunique.msk.u32 $0xffff, v28;
	[tilespmem:v7+s18+$0x0] =	vst.idx.add.f32.msk vm5, v23;
	v7 =	vmovc v15  }
0x192: {  	v15 =	vmov s0;
	vm5 =	vmand vm1, vm3;
	v28 =	vld [tilespmem:s4+$0x0];
	(xrf1) =	vunique.msk.u32 $0xffff, v29  }
0x193: {  	vm1 =	vmmov vm0;
	vm0 =	vlt.u32 v15, v17;
	[tilespmem:v5+s19+$0x0] =	vst.idx.add.f32.msk vm4, v22;
	v22 =	vcvt.s32.f32 v24;
	v5 =	vmovc v8  }
0x194: {  	v21 =	vcvt.s32.f32 v21;
	vm3 =	vmmov vm2;
	v29 =	vcvt.s32.f32 v25;
	v15 =	vld [tilespmem:s13+$0xFFFFFFF0];
	v8 =	vmovc v26  }
0x195: {  	v26 =	vcvt.s32.f32 v27;
	[tilespmem:v13+s18+$0x0] =	vst.idx.add.f32.msk vm7, v22;
	v13 =	vmov v19  }
0x196: {  	v19 =	vmov s6;
	_, v24, vm4 =	vpop (xrf1);
	[tilespmem:v10+s20+$0x0] =	vst.idx.add.f32.msk vm8, v29;
	v10 =	vmov v20  }
0x197: {  	vm2 =	vlt.u32 v19, v17;
	v19 =	vsel vm0, v28, v16;
	vm7 =	vmand vm1, vm4;
	_, v25, vm4 =	vpop (xrf1);
	[tilespmem:v6+s19+$0x0] =	vst.idx.add.f32.msk vm6, v21  }
0x198: {  	v20 =	vsel vm2, v11, v16;
	(xrf1) =	vunique.msk.u32 $0xffff, v19;
	vm6 =	vmand vm3, vm4;
	_, v23, vm8 =	vpop (xrf1);
	[tilespmem:v14+s20+$0x0] =	vst.idx.add.f32.msk vm5, v26  }
.Ltmp4:
0x199: {  	v21 =	vsel vm2, v8, v16;
	v6 =	vmov v12;
	v26 =	vsel vm2, v15, v16;
	(xrf1) =	vunique.msk.u32 $0xffff, v20;
	_, v22, vm4 =	vpop (xrf1);
	v12 =	vld [tilespmem:s5+$0x0];
	(pc) =	sbr.rel @p0 .LBB2_10-.Ltmp4, $4  }
0x19a: {  	v14 =	vmov v18;
	v19 =	vld [tilespmem:s13+$0x0];
	(xrf1) =	vunique.msk.u32 $0xffff, v26;
	vm4 =	vmand vm3, vm4  }
0x19b: {  	vm5 =	vmand vm3, vm8;
	v26 =	vcvt.s32.f32 v24;
	v20 =	vld [tilespmem:s7+$0xFFFFFFF0];
	(xrf1) =	vunique.msk.u32 $0xffff, v21  }
0x19c: {  	v24 =	vcvt.s32.f32 v25;
	v18 =	vld [tilespmem:s7+$0x0]  }
0x19d: {  	s13 =	sadd.s32 $0x20, s13;
	[tilespmem:v4+s17+$0x0] =	vst.idx.add.f32.msk vm7, v26;
	_, v21, vm7 =	vpop (xrf1);
	v4 =	vmov v28  }
0x19e: {  	v17 =	vsel vm0, v12, v16  }
0x19f: {  	v25 =	vsel vm0, v19, v16;
	(xrf1) =	vunique.msk.u32 $0xffff, v17  }
0x1a0: {  	v40 =	vsel vm2, v20, v16;
	(xrf1) =	vunique.msk.u32 $0xffff, v25  }
0x1a1: {  	(xrf1) =	vunique.msk.u32 $0xffff, v40  }
0x1a2: {  	v41 =	vsel vm0, v18, v16  }
0x1a3: {  	(xrf1) =	vunique.msk.u32 $0xffff, v41;
	_ =	sdelay $0x2  }
0x1a4: {  	_, v42, vm8 =	vpop (xrf1);
	v23 =	vcvt.s32.f32 v23  }
0x1a5: {  	[tilespmem:v9+s17+$0x0] =	vst.idx.add.f32.msk vm6, v24;
	v45 =	vcvt.s32.f32 v22;
	_, v43, vm9 =	vpop (xrf1);
	vm8 =	vmand vm1, vm8  }
0x1a6: {  	_, v44, vm10 =	vpop (xrf1);
	vm3 =	vmand vm3, vm9;
	[tilespmem:v7+s18+$0x0] =	vst.idx.add.f32.msk vm5, v23  }
0x1a7: {  	vm7 =	vmand vm1, vm7;
	[tilespmem:v5+s19+$0x0] =	vst.idx.add.f32.msk vm4, v45;
	v5 =	vcvt.s32.f32 v43;
	_, v26, vm12 =	vpop (xrf1)  }
0x1a8: {  	vm1 =	vmand vm1, vm10;
	vm0 =	vmmov vm0;
	_, v46, vm13 =	vpop (xrf1)  }
0x1a9: {  	v47 =	vcvt.s32.f32 v42;
	vm2 =	vmmov vm2;
	vm5 =	vmand vm0, vm12;
	_, v48, vm14 =	vpop (xrf1)  }
0x1aa: {  	vm4 =	vmand vm2, vm13;
	_, v49, vm15 =	vpop (xrf1)  }
0x1ab: {  	v50 =	vcvt.s32.f32 v21;
	[tilespmem:v13+s18+$0x0] =	vst.idx.add.f32.msk vm8, v47;
	vm8 =	vmand vm2, vm14;
	_, v51, vm12 =	vpop (xrf1)  }
0x1ac: {  	v52 =	vcvt.s32.f32 v44;
	[tilespmem:v10+s20+$0x0] =	vst.idx.add.f32.msk vm3, v5;
	vm13 =	vmand vm2, vm15;
	_, v5, vm14 =	vpop (xrf1)  }
0x1ad: {  	[tilespmem:v6+s19+$0x0] =	vst.idx.add.f32.msk vm7, v50;
	v53 =	vcvt.s32.f32 v26;
	vm6 =	vmand vm0, vm14;
	_, v54, vm15 =	vpop (xrf1)  }
0x1ae: {  	[tilespmem:v14+s20+$0x0] =	vst.idx.add.f32.msk vm1, v52;
	v55 =	vcvt.s32.f32 v46;
	vm10 =	vmand vm2, vm15  }
0x1af: {  	[tilespmem:v4+s17+$0x0] =	vst.idx.add.f32.msk vm5, v53;
	v4 =	vcvt.s32.f32 v48;
	vm11 =	vmand vm0, vm12;
	_, v6, vm5 =	vpop (xrf1)  }
0x1b0: {  	v9 =	vcvt.s32.f32 v49;
	[tilespmem:v11+s17+$0x0] =	vst.idx.add.f32.msk vm4, v55;
	vm0 =	vmand vm0, vm5  }
0x1b1: {  	[tilespmem:v15+s18+$0x0] =	vst.idx.add.f32.msk vm8, v4;
	v4 =	vcvt.s32.f32 v5  }
0x1b2: {  	[tilespmem:v8+s19+$0x0] =	vst.idx.add.f32.msk vm13, v9;
	v5 =	vcvt.s32.f32 v54  }
0x1b3: {  	v7 =	vcvt.s32.f32 v51;
	[tilespmem:v19+s18+$0x0] =	vst.idx.add.f32.msk vm6, v4  }
0x1b4: {  	v4 =	vcvt.s32.f32 v6;
	[tilespmem:v20+s20+$0x0] =	vst.idx.add.f32.msk vm10, v5  }
0x1b5: {  	[tilespmem:v12+s19+$0x0] =	vst.idx.add.f32.msk vm11, v7  }
0x1b6: {  	[tilespmem:v18+s20+$0x0] =	vst.idx.add.f32.msk vm0, v4  }
0x1b7: {  	v4 =	vld [tilespmem:$0x8CC0]  }
0x1b8: {  	v5 =	vld [tilespmem:$0x8DC0]  }
0x1b9: {  	v56 =	vld [tilespmem:$0x8EC0]  }
0x1ba: {  	v7 =	vld [tilespmem:$0x8FC0]  }
0x1bb: {  	vm12 =	vmmov $0xfff  }
0x1bc: {  	v57 =	vsel vm12, v4, v3  }
0x1bd: {  	v58 =	vsel vm12, v5, v3;
	(xrf1) =	vunique.msk.u32 $0xffff, v57  }
0x1be: {  	v59 =	vsel vm12, v56, v3;
	(xrf1) =	vunique.msk.u32 $0xffff, v58  }
0x1bf: {  	v60 =	vsel vm12, v7, v3;
	(xrf1) =	vunique.msk.u32 $0xffff, v59  }
0x1c0: {  	(xrf1) =	vunique.msk.u32 $0xffff, v60;
	_ =	sdelay $0xa  }
0x1c1: {  	_, v61, vm13 =	vpop (xrf1)  }
0x1c2: {  	_, v62, vm14 =	vpop (xrf1);
	vm1 =	vmand vm13, vm12  }
0x1c3: {  	_, v63, vm15 =	vpop (xrf1);
	vm2 =	vmand vm14, vm12  }
0x1c4: {  	_, v11, vm4 =	vpop (xrf1);
	vm3 =	vmand vm15, vm12  }
0x1c5: {  	vm0 =	vmand vm4, vm12  }
0x1c6: {  	v8 =	vcvt.s32.f32 v61  }
0x1c7: {  	v9 =	vcvt.s32.f32 v62  }
0x1c8: {  	[tilespmem:v4+s17+$0x0] =	vst.idx.add.f32.msk vm1, v8;
	v4 =	vcvt.s32.f32 v63  }
0x1c9: {  	[tilespmem:v5+s18+$0x0] =	vst.idx.add.f32.msk vm2, v9;
	v5 =	vcvt.s32.f32 v11  }
0x1ca: {  	[tilespmem:v56+s19+$0x0] =	vst.idx.add.f32.msk vm3, v4  }
0x1cb: {  	s0 =	rddreg [dreg:$0xe];
	[tilespmem:v7+s20+$0x0] =	vst.idx.add.f32.msk vm0, v5  }
0x1cc: {  	[hbm4b:s0+s9] =	stream.strided.scatter [tilespmem:s8], [sflag:$0x1], $0x100, s23, s9, $0x38;
	[tilespmem:$0x9000] =	vst v63  }
0x1cd: {  	s22 =	rddreg [dreg:$0xf]  }
0x1ce: {  	[hbm4b:s22+s9] =	stream.strided.scatter [tilespmem:s14], [sflag:$0x1], $0x100, s23, s9, $0x38;
	[tilespmem:$0x9000] =	vst v63  }
0x1cf: {  	s24 =	rddreg [dreg:$0x10]  }
0x1d0: {  	[hbm4b:s24+s9] =	stream.strided.scatter [tilespmem:s15], [sflag:$0x1], $0x100, s23, s9, $0x38;
	[tilespmem:$0x9000] =	vst v63  }
0x1d1: {  	s25 =	rddreg [dreg:$0x11]  }
0x1d2: {  	[hbm4b:s25+s9] =	stream.strided.scatter [tilespmem:s16], [sflag:$0x1], $0x100, s23, s9, $0x38;
	[tilespmem:$0x9000] =	vst v63  }
0x1d3: {  	s26 =	rddreg [dreg:$0x12]  }
0x1d4: {  	[hbm4b:s26+s9] =	stream.strided.scatter [tilespmem:s17], [sflag:$0x1], $0x400, s23, s9, $0x38;
	[tilespmem:$0x9000] =	vst v63  }
0x1d5: {  	s28 =	rddreg [dreg:$0x13]  }
0x1d6: {  	[hbm4b:s28+s9] =	stream.strided.scatter [tilespmem:s18], [sflag:$0x1], $0x400, s23, s9, $0x38;
	[tilespmem:$0x9000] =	vst v63  }
0x1d7: {  	s29 =	rddreg [dreg:$0x14]  }
0x1d8: {  	[hbm4b:s29+s9] =	stream.strided.scatter [tilespmem:s19], [sflag:$0x1], $0x400, s23, s9, $0x38;
	[tilespmem:$0x9000] =	vst v63  }
0x1d9: {  	s5 =	simm.s32 $0x1;
	s30 =	rddreg [dreg:$0x15]  }
0x1da: {  	[hbm4b:s30+s9] =	stream.strided.scatter [tilespmem:s20], [sflag:$0x1], $0x400, s23, s9, $0x38;
	[tilespmem:$0x9000] =	vst v63  }
0x1db: {  	_ =	swait.ge [sflag:s5], $0x800  }
0x1dc: {  	[sflag:s5] =	ssyncset.done $0x0  }
0x1dd: {  	[sflag:s5] =	ssyncadd.s32 $0xFFFFF800  }
0x1de: {  	_ =	swait.ge [sflag:s5], $0x800  }
0x1df: {  	[sflag:s5] =	ssyncset.done $0x0  }
0x1e0: {  	[sflag:s5] =	ssyncadd.s32 $0xFFFFF800  }
0x1e1: {  	_ =	swait.ge [sflag:s5], $0x800  }
0x1e2: {  	[sflag:s5] =	ssyncset.done $0x0  }
0x1e3: {  	[sflag:s5] =	ssyncadd.s32 $0xFFFFF800  }
0x1e4: {  	_ =	swait.ge [sflag:s5], $0x800  }
0x1e5: {  	[sflag:s5] =	ssyncset.done $0x0  }
0x1e6: {  	[sflag:s5] =	ssyncadd.s32 $0xFFFFF800  }
0x1e7: {  	_ =	swait.ge [sflag:s5], $0x100  }
0x1e8: {  	[sflag:s5] =	ssyncset.done $0x0  }
0x1e9: {  	[sflag:s5] =	ssyncadd.s32 $0xFFFFFF00  }
0x1ea: {  	_ =	swait.ge [sflag:s5], $0x100  }
0x1eb: {  	[sflag:s5] =	ssyncset.done $0x0  }
0x1ec: {  	[sflag:s5] =	ssyncadd.s32 $0xFFFFFF00  }
0x1ed: {  	_ =	swait.ge [sflag:s5], $0x100  }
0x1ee: {  	[sflag:s5] =	ssyncset.done $0x0  }
0x1ef: {  	[sflag:s5] =	ssyncadd.s32 $0xFFFFFF00  }
0x1f0: {  	_ =	swait.ge [sflag:s5], $0x100  }
0x1f1: {  	[sflag:s5] =	ssyncset.done $0x0  }
0x1f2: {  	[sflag:s5] =	ssyncadd.s32 $0xFFFFFF00  }
0x1f3: {  	_ =	swait.ge [sflag:s5], $0x400  }
0x1f4: {  	[sflag:s5] =	ssyncset.done $0x0  }
0x1f5: {  	[sflag:s5] =	ssyncadd.s32 $0xFFFFFC00  }
0x1f6: {  	_ =	swait.ge [sflag:s5], $0x400  }
0x1f7: {  	[sflag:s5] =	ssyncset.done $0x0  }
0x1f8: {  	[sflag:s5] =	ssyncadd.s32 $0xFFFFFC00  }
0x1f9: {  	_ =	swait.ge [sflag:s5], $0x400  }
0x1fa: {  	[sflag:s5] =	ssyncset.done $0x0  }
0x1fb: {  	[sflag:s5] =	ssyncadd.s32 $0xFFFFFC00  }
0x1fc: {  	_ =	swait.ge [sflag:s5], $0x400  }
0x1fd: {  	s4 =	rddreg [dreg:$0x17]  }
0x1fe: {  	s31 =	rddreg [dreg:$0x16];
	s4 =	sadd.s32 $0x1, s4  }
0x1ff: {  	p0 =	sne.s32 s4, s31  }
.Ltmp5:
0x200: {  	_ = 	snop;
	(pc) =	sbr.rel @p0 .LBB2_1-.Ltmp5, $3  }
0x201: {  	_ =	sdelay $0x1  }
0x202: {  	[sflag:s5] =	ssyncset.done $0x0  }
0x203: {  	[sflag:s5] =	ssyncadd.s32 $0xFFFFFC00  }
0x204: {  	_ =	sfence.sel $0x180000  }
0x205: {  	[bflag:$0x0] =	sbarrier.arrive $0xFFFF  }
0x206: {  	_ =	strace $0x90000047  }
0x207: {  	s0 =	stileid.u32;
	[bflag:$0x2] =	sbarrier.arrive $0xFFFF  }
0x208: {  	p0 =	sne.s32 s0, $0x0;
	s0 =	rddreg [dreg:$0x4]  }
0x209: {  	s0 =	sadd.s32 @!p0 $0x100000, s0  }
0x20a: {  	[sflag:s0] =	ssyncadd.tile.s32 @!p0 $0x1;
	_ =	shalt  }
.Lfunc_end2:
_tile_overlayer_lowered:
.L_overlay_start_2:
0x20b: {  	(tag) =	ssettag $0x2  }
0x20c: {  	s0 =	rddreg [dreg:$0x0];
	s2 =	stileid.u32  }
0x20d: {  	s1 =	rddreg [dreg:$0x1];
	p0 =	sne.s32 s2, $0x0  }
0x20e: {  	s3 =	rddreg [dreg:$0x2];
	[bflag:$0x3] =	sbarrier.arrive $0xFFFF;
	s2 =	simm.s32 @!p0 $0x1C02  }
0x20f: {  	[timem:s3], [sflag:s2] =	dma.local @!p0 [hbm:s0], s1  }
0x210: {  	s0 =	simm.s32 @!p0 $0x2  }
0x211: {  	_ =	swait.ge @!p0 [sflag:s0], s1  }
0x212: {  	s1 =	ssub.s32 @!p0 $0x0, s1;
	[sflag:s0] =	ssyncset.done @!p0 $0x0  }
0x213: {  	[sflag:s0] =	ssyncadd.s32 @!p0 s1  }
0x214: {  	[bflag:$0x3] =	sbarrier.arrive $0xFFFF  }
0x215: {  	_ =	shalt  }

</sc_bundles>
